<compile_context>
chip_gen: v7x
topology: tpu7x:2x2x1
jax: 0.10.2.dev20260603
libtpu: 0.0.44.dev20260713+nightly
codegen_flags: <defaults>
</compile_context>

<pallas_src>
import jax
import jax.numpy as jnp
from jax import lax
from jax.experimental import pallas as pl
from jax.experimental.pallas import tpu as pltpu
from jax.experimental.pallas import tpu_sc as plsc

_NSTATES = 8192
_B = 16
_S = 2048
_HALF = _S // 2
_HCHUNK = _HALF // 128

_LN2 = 0.6931471805599453
_TOKSALT = 0x5BD1E995

_C = (3.380092128413281e-08, 0.9999942754832565, -0.49983859970430183,
      0.3315488284179245, -0.23982677968493948, 0.16582375872676303,
      -0.09325294495535737, 0.034850128772746986, -0.00615154505390585)


def _vlog(x):
    bits = plsc.bitcast(x, jnp.int32)
    ef = ((bits >> 23) - 127).astype(jnp.float32)
    t = plsc.bitcast((bits & 0x7FFFFF) | 0x3F800000, jnp.float32) - 1.0
    p = _C[8]
    for k in range(7, -1, -1):
        p = p * t + _C[k]
    return ef * _LN2 + p


def _tiled_addr(r, c):
    return ((r >> 3) << 16) + ((c >> 7) << 10) + ((r & 7) << 7) + (c & 127)


def _body(data_hbm, init_hbm, trans_hbm, out_hbm, part_hbm,
          dbuf, idx2, vals, fvec, ivec, evec, tvec, tmp, sem, gsem):
    s_id = lax.axis_index("s")
    c_id = lax.axis_index("c")
    lane = lax.iota(jnp.int32, 16)

    is_c0 = c_id == 0
    combiner = jnp.logical_and(c_id == 0, s_id == 0)
    tokener = jnp.logical_and(c_id == 1, s_id == 0)

    @pl.when(combiner)
    def _():
        pltpu.sync_copy(data_hbm.at[0, pl.ds(_HALF, 16)], evec)

    pltpu.sync_copy(data_hbm.at[s_id, pl.ds(c_id * _HALF, _HALF)],
                    dbuf.at[pl.ds(0, _HALF)])
    dbuf[pl.ds(_HALF, 16)] = jnp.zeros((16,), jnp.int32)

    bcopy = None
    @pl.when(is_c0)
    def _():
        nonlocal bcopy
        bcopy = pltpu.async_copy(data_hbm.at[s_id, pl.ds(_HALF, 16)],
                                 dbuf.at[pl.ds(_HALF, 16)], sem)

    first = dbuf[pl.ds(0, 16)]
    d0 = jnp.max(jnp.where(lane == 0, first, -1))
    ivec[...] = jnp.zeros((16,), jnp.int32) + d0
    icopy = pltpu.async_copy(init_hbm.at[ivec], fvec, sem)

    copies = []
    for k in range(_HCHUNK):
        if k == _HCHUNK - 1:
            icopy.wait()

            @pl.when(is_c0)
            def _():
                bcopy.wait()

        @plsc.parallel_loop(0, 8, unroll=2)
        def _(j, k=k):
            prev = dbuf[pl.ds(k * 128 + j * 16, 16)]
            nxt = dbuf[pl.ds(k * 128 + j * 16 + 1, 16)]
            idx2[k, pl.ds(j * 16, 16)] = _tiled_addr(prev, nxt)
        copies.append(
            pltpu.async_copy(trans_hbm.at[idx2.at[k]], vals.at[k], gsem))

    acc = jnp.where(jnp.logical_and(lane == 0, is_c0),
                    _vlog(fvec[...]), 0.0)

    for c in copies:
        c.wait()

    @pl.when(jnp.logical_not(is_c0))
    def _():
        lastc = vals[_HCHUNK - 1, pl.ds(112, 16)]
        vals[_HCHUNK - 1, pl.ds(112, 16)] = jnp.where(lane == 15, 1.0, lastc)

    @plsc.parallel_loop(0, _HCHUNK * 8, unroll=2, carry=acc)
    def acc(j, a):
        return a + _vlog(vals[j // 8, pl.ds((j % 8) * 16, 16)])

    fvec[...] = jnp.zeros((16,), jnp.float32) + jnp.sum(acc)
    pltpu.sync_copy(fvec, part_hbm.at[c_id, s_id])
    plsc.subcore_barrier()

    @pl.when(tokener)
    def _():
        tvec[...] = dbuf[pl.ds(0, 16)] ^ _TOKSALT
        fvec[...] = plsc.bitcast(tvec[...], jnp.float32)
        pltpu.sync_copy(fvec, part_hbm.at[1, 16])

    @pl.when(combiner)
    def _():
        expect = evec[...] ^ _TOKSALT

        def _cond(ok):
            return jnp.logical_not(ok)

        def _poll(ok):
            pltpu.sync_copy(part_hbm, tmp)
            tok = plsc.bitcast(tmp[1, 16], jnp.int32)
            return jnp.all(tok == expect)

        lax.while_loop(_cond, _poll, False)

        rll = jnp.zeros((16,), jnp.float32)
        for b in range(_B):
            sb = tmp[0, b] + tmp[1, b]
            rll = rll + jnp.where(lane == b, sb, 0.0)
        mx = jnp.max(rll)
        ssum = jnp.sum(jnp.exp(rll - mx))
        res = -(mx + _vlog(jnp.full((16,), ssum, jnp.float32)))
        fvec[...] = res
        pltpu.sync_copy(fvec, out_hbm)


_markov_sc = pl.kernel(
    _body,
    out_type=(jax.ShapeDtypeStruct((16,), jnp.float32),
              jax.ShapeDtypeStruct((2, 24, 16), jnp.float32)),
    mesh=plsc.VectorSubcoreMesh(
        core_axis_name="c", subcore_axis_name="s", num_cores=2),
    compiler_params=pltpu.CompilerParams(needs_layout_passes=False),
    scratch_types=[
        pltpu.VMEM((_HALF + 16,), jnp.int32),
        pltpu.VMEM((_HCHUNK, 128), jnp.int32),
        pltpu.VMEM((_HCHUNK, 128), jnp.float32),
        pltpu.VMEM((16,), jnp.float32),
        pltpu.VMEM((16,), jnp.int32),
        pltpu.VMEM((16,), jnp.int32),
        pltpu.VMEM((16,), jnp.int32),
        pltpu.VMEM((2, 24, 16), jnp.float32),
        pltpu.SemaphoreType.DMA,
        pltpu.SemaphoreType.DMA,
    ],
)


def kernel(data, initial_probs, transition_probs):
    tflat = (transition_probs.reshape(1024, 8, 64, 128)
             .transpose(0, 2, 1, 3).reshape(-1))
    out, _ = _markov_sc(data, initial_probs, tflat)
    return out[0]

# --- scband reference (transcript-rebuilt; emitter-appended) ---
"""Pipeline reference for scband-markov-model-16767552323887 (READ-ONLY COPY).

The authoritative reference and input builder live on the scoring server;
editing this copy changes nothing except your own understanding.
"""

import jax, jax.numpy as jnp
import numpy as np

NUM_STATES = 8192
BATCH = 16
SEQLEN = 2048


def setup_inputs(seed: int = 0) -> dict:
    key = jax.random.key(seed)
    k1, k2, k3 = jax.random.split(key, 3)
    # state-id sequences; equal lengths -> packed batch_sizes are constant = BATCH
    data = jax.random.randint(k1, (BATCH, SEQLEN), 0, NUM_STATES, dtype=jnp.int32)
    # learned (non-grad) parameters, initialized exactly like reset_parameters()
    initial_probs = jax.random.uniform(k2, (NUM_STATES,), dtype=jnp.float32)
    initial_probs = initial_probs / initial_probs.sum()
    transition_probs = jax.random.uniform(k3, (NUM_STATES, NUM_STATES), dtype=jnp.float32)
    transition_probs = transition_probs / transition_probs.sum(axis=1, keepdims=True)
    return {"data": data, "initial_probs": initial_probs, "transition_probs": transition_probs}


def reference(data, initial_probs, transition_probs):
    # Equivalent of the PackedSequence loop for equal-length sequences:
    # log_likeli starts from initial state probs, then accumulates
    # log transition_probs[source, target] for every consecutive pair.
    log_likeli = jnp.log(initial_probs[data[:, 0]])
    # gather transition probabilities for all (prev, next) pairs: [B, S-1]
    trans = transition_probs[data[:, :-1], data[:, 1:]]
    log_likeli = log_likeli + jnp.log(trans).sum(axis=1)
    # faithful to torch: -log_likeli.logsumexp(-1).sum() (sum over scalar is no-op)
    return -jax.nn.logsumexp(log_likeli, axis=-1)

if __name__ == "__main__":
    import jax
    _d = setup_inputs()
    print(jax.jit(kernel)(*tuple(_d.values())))

</pallas_src>

<mosaic_0001>
#map = affine_map<(d0, d1) -> (0, 0)>
#map1 = affine_map<(d0, d1) -> (0)>
#map2 = affine_map<(d0, d1) -> (0, 0, 0)>
module attributes {stable_mosaic.version = 14 : i64} {
  func.func @_body(%arg0: i32, %arg1: i32, %arg2: memref<16x2048xi32, #tpu.memory_space<hbm>>, %arg3: memref<8192xf32, #tpu.memory_space<hbm>>, %arg4: memref<67108864xf32, #tpu.memory_space<hbm>>, %arg5: memref<16xf32, #tpu.memory_space<hbm>>, %arg6: memref<2x24x16xf32, #tpu.memory_space<hbm>>, %arg7: memref<1040xi32, #tpu.memory_space<vmem>>, %arg8: memref<8x128xi32, #tpu.memory_space<vmem>>, %arg9: memref<8x128xf32, #tpu.memory_space<vmem>>, %arg10: memref<16xf32, #tpu.memory_space<vmem>>, %arg11: memref<16xi32, #tpu.memory_space<vmem>>, %arg12: memref<16xi32, #tpu.memory_space<vmem>>, %arg13: memref<16xi32, #tpu.memory_space<vmem>>, %arg14: memref<2x24x16xf32, #tpu.memory_space<vmem>>, %arg15: memref<!tpu.dma_semaphore, #tpu.memory_space<semaphore_mem>>, %arg16: memref<!tpu.dma_semaphore, #tpu.memory_space<semaphore_mem>>) attributes {dimension_semantics = [#tpu.dimension_semantics<core_parallel>, #tpu.dimension_semantics<subcore_parallel>], iteration_bounds = array<i64: 2, 16>, scalar_prefetch = 0 : i64, scratch_operands = 10 : i64, tpu.core_type = #tpu.core_type<sc_vector_subcore>, window_params = [{transform_indices = #map}, {transform_indices = #map1}, {transform_indices = #map1}, {transform_indices = #map1}, {transform_indices = #map2}]} {
    %iota3A = tpu.iota {dimensions = array<i32: 0>} : vector<16xi32>
    %eq3A = arith.constant 0 : i32
    %eq3A_0 = arith.cmpi eq, %arg0, %eq3A : i32
    %eq3A_1 = arith.constant 0 : i32
    %eq3A_2 = arith.cmpi eq, %arg0, %eq3A_1 : i32
    %eq3A_3 = arith.constant 0 : i32
    %eq3A_4 = arith.cmpi eq, %arg1, %eq3A_3 : i32
    %and3A = arith.andi %eq3A_2, %eq3A_4 : i1
    %eq3A_5 = arith.constant 1 : i32
    %eq3A_6 = arith.cmpi eq, %arg0, %eq3A_5 : i32
    %eq3A_7 = arith.constant 0 : i32
    %eq3A_8 = arith.cmpi eq, %arg1, %eq3A_7 : i32
    %and3A_9 = arith.andi %eq3A_6, %eq3A_8 : i1
    %convert_element_type3A = arith.extui %and3A : i1 to i32
    %cond3A = arith.constant 0 : i32
    %cond3A_10 = arith.cmpi ne, %convert_element_type3A, %cond3A : i32
    scf.if %cond3A_10 {
      %run_scoped3A = arith.constant 0 : i32
      "tpu.region"() ({
        %run_scoped3A_307 = tpu.sem_alloc : memref<!tpu.dma_semaphore, #tpu.memory_space<semaphore_mem>>
        %dma_start3A_308 = arith.constant 1024 : i32
        %dma_start3A_309 = tpu.memref_slice %arg2[%run_scoped3A, %dma_start3A_308] : memref<16x2048xi32, #tpu.memory_space<hbm>> -> memref<1x16xi32, #tpu.memory_space<hbm>>
        %dma_start3A_310 = tpu.memref_squeeze %dma_start3A_309 : memref<1x16xi32, #tpu.memory_space<hbm>> -> memref<16xi32, #tpu.memory_space<hbm>>
        %dma_start3A_311 = arith.constant 1024 : i32
        %dma_start3A_312 = tpu.memref_slice %arg2[%run_scoped3A, %dma_start3A_311] : memref<16x2048xi32, #tpu.memory_space<hbm>> -> memref<1x16xi32, #tpu.memory_space<hbm>>
        %dma_start3A_313 = tpu.memref_squeeze %dma_start3A_312 : memref<1x16xi32, #tpu.memory_space<hbm>> -> memref<16xi32, #tpu.memory_space<hbm>>
        tpu.enqueue_dma source(%dma_start3A_313 : memref<16xi32, #tpu.memory_space<hbm>>) target(%arg12 : memref<16xi32, #tpu.memory_space<vmem>>) target_semaphore(%run_scoped3A_307 : memref<!tpu.dma_semaphore, #tpu.memory_space<semaphore_mem>>)
        %dma_wait3A_314 = arith.constant 1024 : i32
        %dma_wait3A_315 = tpu.memref_slice %arg2[%run_scoped3A, %dma_wait3A_314] : memref<16x2048xi32, #tpu.memory_space<hbm>> -> memref<1x16xi32, #tpu.memory_space<hbm>>
        %dma_wait3A_316 = tpu.memref_squeeze %dma_wait3A_315 : memref<1x16xi32, #tpu.memory_space<hbm>> -> memref<16xi32, #tpu.memory_space<hbm>>
        %dma_wait3A_317 = arith.constant 1024 : i32
        %dma_wait3A_318 = tpu.memref_slice %arg2[%run_scoped3A, %dma_wait3A_317] : memref<16x2048xi32, #tpu.memory_space<hbm>> -> memref<1x16xi32, #tpu.memory_space<hbm>>
        %dma_wait3A_319 = tpu.memref_squeeze %dma_wait3A_318 : memref<1x16xi32, #tpu.memory_space<hbm>> -> memref<16xi32, #tpu.memory_space<hbm>>
        tpu.wait_dma2 semaphore(%run_scoped3A_307 : memref<!tpu.dma_semaphore, #tpu.memory_space<semaphore_mem>>) src(%dma_wait3A_319 : memref<16xi32, #tpu.memory_space<hbm>>) dst(%arg12 : memref<16xi32, #tpu.memory_space<vmem>>)
        tpu.yield
      }) : () -> ()
    } else {
    }
    %mul3A = arith.constant 1024 : i32
    %mul3A_11 = arith.muli %arg0, %mul3A : i32
    "tpu.region"() ({
      %run_scoped3A = tpu.sem_alloc : memref<!tpu.dma_semaphore, #tpu.memory_space<semaphore_mem>>
      %dma_start3A_307 = arith.constant 0 : i32
      %dma_start3A_308 = tpu.memref_slice %arg7[%dma_start3A_307] : memref<1040xi32, #tpu.memory_space<vmem>> -> memref<1024xi32, #tpu.memory_space<vmem>>
      %dma_start3A_309 = tpu.memref_slice %arg2[%arg1, %mul3A_11] : memref<16x2048xi32, #tpu.memory_space<hbm>> -> memref<1x1024xi32, #tpu.memory_space<hbm>>
      %dma_start3A_310 = tpu.memref_squeeze %dma_start3A_309 : memref<1x1024xi32, #tpu.memory_space<hbm>> -> memref<1024xi32, #tpu.memory_space<hbm>>
      %dma_start3A_311 = arith.constant 0 : i32
      %dma_start3A_312 = tpu.memref_slice %arg7[%dma_start3A_311] : memref<1040xi32, #tpu.memory_space<vmem>> -> memref<1024xi32, #tpu.memory_space<vmem>>
      %dma_start3A_313 = tpu.memref_slice %arg2[%arg1, %mul3A_11] : memref<16x2048xi32, #tpu.memory_space<hbm>> -> memref<1x1024xi32, #tpu.memory_space<hbm>>
      %dma_start3A_314 = tpu.memref_squeeze %dma_start3A_313 : memref<1x1024xi32, #tpu.memory_space<hbm>> -> memref<1024xi32, #tpu.memory_space<hbm>>
      tpu.enqueue_dma source(%dma_start3A_314 : memref<1024xi32, #tpu.memory_space<hbm>>) target(%dma_start3A_312 : memref<1024xi32, #tpu.memory_space<vmem>>) target_semaphore(%run_scoped3A : memref<!tpu.dma_semaphore, #tpu.memory_space<semaphore_mem>>)
      %dma_wait3A_315 = arith.constant 0 : i32
      %dma_wait3A_316 = tpu.memref_slice %arg7[%dma_wait3A_315] : memref<1040xi32, #tpu.memory_space<vmem>> -> memref<1024xi32, #tpu.memory_space<vmem>>
      %dma_wait3A_317 = tpu.memref_slice %arg2[%arg1, %mul3A_11] : memref<16x2048xi32, #tpu.memory_space<hbm>> -> memref<1x1024xi32, #tpu.memory_space<hbm>>
      %dma_wait3A_318 = tpu.memref_squeeze %dma_wait3A_317 : memref<1x1024xi32, #tpu.memory_space<hbm>> -> memref<1024xi32, #tpu.memory_space<hbm>>
      %dma_wait3A_319 = arith.constant 0 : i32
      %dma_wait3A_320 = tpu.memref_slice %arg7[%dma_wait3A_319] : memref<1040xi32, #tpu.memory_space<vmem>> -> memref<1024xi32, #tpu.memory_space<vmem>>
      %dma_wait3A_321 = tpu.memref_slice %arg2[%arg1, %mul3A_11] : memref<16x2048xi32, #tpu.memory_space<hbm>> -> memref<1x1024xi32, #tpu.memory_space<hbm>>
      %dma_wait3A_322 = tpu.memref_squeeze %dma_wait3A_321 : memref<1x1024xi32, #tpu.memory_space<hbm>> -> memref<1024xi32, #tpu.memory_space<hbm>>
      tpu.wait_dma2 semaphore(%run_scoped3A : memref<!tpu.dma_semaphore, #tpu.memory_space<semaphore_mem>>) src(%dma_wait3A_322 : memref<1024xi32, #tpu.memory_space<hbm>>) dst(%dma_wait3A_320 : memref<1024xi32, #tpu.memory_space<vmem>>)
      tpu.yield
    }) : () -> ()
    %broadcast_in_dim3A = arith.constant 0 : i32
    %broadcast_in_dim3A_12 = vector.broadcast %broadcast_in_dim3A : i32 to vector<16xi32>
    %swap3A = arith.constant 1024 : index
    %swap3A_13 = tpu.vector_load %arg7[%swap3A] {strides = array<i32>} : memref<1040xi32, #tpu.memory_space<vmem>>, vector<16xi32>,
    tpu.vector_store %arg7[%swap3A], %broadcast_in_dim3A_12 {strides = array<i32>} : memref<1040xi32, #tpu.memory_space<vmem>>, vector<16xi32>,
    %convert_element_type3A_14 = arith.extui %eq3A_0 : i1 to i32
    %cond3A_15 = arith.constant 0 : i32
    %cond3A_16 = arith.cmpi ne, %convert_element_type3A_14, %cond3A_15 : i32
    scf.if %cond3A_16 {
      %dma_start3A_307 = arith.constant 1024 : i32
      %dma_start3A_308 = tpu.memref_slice %arg7[%dma_start3A_307] : memref<1040xi32, #tpu.memory_space<vmem>> -> memref<16xi32, #tpu.memory_space<vmem>>
      %dma_start3A_309 = arith.constant 1024 : i32
      %dma_start3A_310 = tpu.memref_slice %arg2[%arg1, %dma_start3A_309] : memref<16x2048xi32, #tpu.memory_space<hbm>> -> memref<1x16xi32, #tpu.memory_space<hbm>>
      %dma_start3A_311 = tpu.memref_squeeze %dma_start3A_310 : memref<1x16xi32, #tpu.memory_space<hbm>> -> memref<16xi32, #tpu.memory_space<hbm>>
      %dma_start3A_312 = arith.constant 1024 : i32
      %dma_start3A_313 = tpu.memref_slice %arg7[%dma_start3A_312] : memref<1040xi32, #tpu.memory_space<vmem>> -> memref<16xi32, #tpu.memory_space<vmem>>
      %dma_start3A_314 = arith.constant 1024 : i32
      %dma_start3A_315 = tpu.memref_slice %arg2[%arg1, %dma_start3A_314] : memref<16x2048xi32, #tpu.memory_space<hbm>> -> memref<1x16xi32, #tpu.memory_space<hbm>>
      %dma_start3A_316 = tpu.memref_squeeze %dma_start3A_315 : memref<1x16xi32, #tpu.memory_space<hbm>> -> memref<16xi32, #tpu.memory_space<hbm>>
      tpu.enqueue_dma source(%dma_start3A_316 : memref<16xi32, #tpu.memory_space<hbm>>) target(%dma_start3A_313 : memref<16xi32, #tpu.memory_space<vmem>>) target_semaphore(%arg15 : memref<!tpu.dma_semaphore, #tpu.memory_space<semaphore_mem>>)
    } else {
    }
    %get3A = arith.constant 0 : index
    %get3A_17 = tpu.vector_load %arg7[%get3A] {strides = array<i32>} : memref<1040xi32, #tpu.memory_space<vmem>>, vector<16xi32>,
    %eq3A_18 = arith.constant 0 : i32
    %eq3A_19 = vector.broadcast %eq3A_18 : i32 to vector<16xi32>
    %eq3A_20 = arith.cmpi eq, %iota3A, %eq3A_19 : vector<16xi32>
    %jit3A = arith.constant -1 : i32
    %broadcast_in_dim3A_21 = vector.broadcast %jit3A : i32 to vector<16xi32>
    %select_n3A = arith.select %eq3A_20, %get3A_17, %broadcast_in_dim3A_21 : vector<16xi1>, vector<16xi32>
    %reduce_max3A = arith.constant true
    %reduce_max3A_22 = vector.broadcast %reduce_max3A : i1 to vector<16xi1>
    %reduce_max3A_23 = arith.constant -2147483648 : i32
    %reduce_max3A_24 = vector.broadcast %reduce_max3A_23 : i32 to vector<16xi32>
    %reduce_max3A_25 = arith.xori %select_n3A, %reduce_max3A_24 : vector<16xi32>
    %reduce_max3A_26 = tpu.scan <max>, %reduce_max3A_25 masked %reduce_max3A_22 : vector<16xi32>, vector<16xi1> -> vector<16xi32>
    %reduce_max3A_27 = arith.xori %reduce_max3A_26, %reduce_max3A_24 : vector<16xi32>
    %reduce_max3A_28 = vector.extract %reduce_max3A_27[15] : i32 from vector<16xi32>
    %broadcast_in_dim3A_29 = arith.constant 0 : i32
    %broadcast_in_dim3A_30 = vector.broadcast %broadcast_in_dim3A_29 : i32 to vector<16xi32>
    %add3A = vector.broadcast %reduce_max3A_28 : i32 to vector<16xi32>
    %add3A_31 = arith.addi %broadcast_in_dim3A_30, %add3A : vector<16xi32>
    %swap3A_32 = arith.constant 0 : index
    %swap3A_33 = tpu.vector_load %arg11[%swap3A_32] {strides = array<i32>} : memref<16xi32, #tpu.memory_space<vmem>>, vector<16xi32>,
    tpu.vector_store %arg11[%swap3A_32], %add3A_31 {strides = array<i32>} : memref<16xi32, #tpu.memory_space<vmem>>, vector<16xi32>,
    %dma_start3A = arith.constant 0 : i32
    %dma_start3A_34 = tpu.memref_slice %arg3[%dma_start3A] : memref<8192xf32, #tpu.memory_space<hbm>> -> memref<8192xf32, #tpu.memory_space<hbm>>
    tpu.enqueue_indirect_dma source(%dma_start3A_34 : memref<8192xf32, #tpu.memory_space<hbm>>) target(%arg10 : memref<16xf32, #tpu.memory_space<vmem>>) offsets(%arg11 : memref<16xi32, #tpu.memory_space<vmem>>) semaphore(%arg15 : memref<!tpu.dma_semaphore, #tpu.memory_space<semaphore_mem>>)
    %parallel_loop3A = arith.constant 0 : i32
    %parallel_loop3A_35 = arith.constant 8 : i32
    %parallel_loop3A_36 = arith.constant 1 : i32
    scf.for %parallel_loop3A_307 = %parallel_loop3A to %parallel_loop3A_35 step %parallel_loop3A_36  : i32 {
      %parallel_loop3A_308 = arith.constant 16 : i32
      %parallel_loop3A_309 = arith.muli %parallel_loop3A_307, %parallel_loop3A_308 : i32
      %parallel_loop3A_310 = arith.constant 0 : i32
      %parallel_loop3A_311 = arith.addi %parallel_loop3A_310, %parallel_loop3A_309 : i32
      %parallel_loop3A_312 = arith.index_cast %parallel_loop3A_311 : i32 to index
      %parallel_loop3A_313 = tpu.vector_load %arg7[%parallel_loop3A_312] {strides = array<i32>} : memref<1040xi32, #tpu.memory_space<vmem>>, vector<16xi32>,
      %parallel_loop3A_314 = arith.constant 16 : i32
      %parallel_loop3A_315 = arith.muli %parallel_loop3A_307, %parallel_loop3A_314 : i32
      %parallel_loop3A_316 = arith.constant 0 : i32
      %parallel_loop3A_317 = arith.addi %parallel_loop3A_316, %parallel_loop3A_315 : i32
      %parallel_loop3A_318 = arith.constant 1 : i32
      %parallel_loop3A_319 = arith.addi %parallel_loop3A_317, %parallel_loop3A_318 : i32
      %parallel_loop3A_320 = arith.index_cast %parallel_loop3A_319 : i32 to index
      %parallel_loop3A_321 = tpu.vector_load %arg7[%parallel_loop3A_320] {strides = array<i32>} : memref<1040xi32, #tpu.memory_space<vmem>>, vector<16xi32>,
      %parallel_loop3A_322 = arith.constant 3 : i32
      %parallel_loop3A_323 = vector.broadcast %parallel_loop3A_322 : i32 to vector<16xi32>
      %parallel_loop3A_324 = arith.shrsi %parallel_loop3A_313, %parallel_loop3A_323 : vector<16xi32>
      %parallel_loop3A_325 = arith.constant 16 : i32
      %parallel_loop3A_326 = vector.broadcast %parallel_loop3A_325 : i32 to vector<16xi32>
      %parallel_loop3A_327 = arith.shli %parallel_loop3A_324, %parallel_loop3A_326 : vector<16xi32>
      %parallel_loop3A_328 = arith.constant 7 : i32
      %parallel_loop3A_329 = vector.broadcast %parallel_loop3A_328 : i32 to vector<16xi32>
      %parallel_loop3A_330 = arith.shrsi %parallel_loop3A_321, %parallel_loop3A_329 : vector<16xi32>
      %parallel_loop3A_331 = arith.constant 10 : i32
      %parallel_loop3A_332 = vector.broadcast %parallel_loop3A_331 : i32 to vector<16xi32>
      %parallel_loop3A_333 = arith.shli %parallel_loop3A_330, %parallel_loop3A_332 : vector<16xi32>
      %parallel_loop3A_334 = arith.addi %parallel_loop3A_327, %parallel_loop3A_333 : vector<16xi32>
      %parallel_loop3A_335 = arith.constant 7 : i32
      %parallel_loop3A_336 = vector.broadcast %parallel_loop3A_335 : i32 to vector<16xi32>
      %parallel_loop3A_337 = arith.andi %parallel_loop3A_313, %parallel_loop3A_336 : vector<16xi32>
      %parallel_loop3A_338 = arith.constant 7 : i32
      %parallel_loop3A_339 = vector.broadcast %parallel_loop3A_338 : i32 to vector<16xi32>
      %parallel_loop3A_340 = arith.shli %parallel_loop3A_337, %parallel_loop3A_339 : vector<16xi32>
      %parallel_loop3A_341 = arith.addi %parallel_loop3A_334, %parallel_loop3A_340 : vector<16xi32>
      %parallel_loop3A_342 = arith.constant 127 : i32
      %parallel_loop3A_343 = vector.broadcast %parallel_loop3A_342 : i32 to vector<16xi32>
      %parallel_loop3A_344 = arith.andi %parallel_loop3A_321, %parallel_loop3A_343 : vector<16xi32>
      %parallel_loop3A_345 = arith.addi %parallel_loop3A_341, %parallel_loop3A_344 : vector<16xi32>
      %parallel_loop3A_346 = arith.constant 16 : i32
      %parallel_loop3A_347 = arith.muli %parallel_loop3A_307, %parallel_loop3A_346 : i32
      %parallel_loop3A_348 = arith.constant 0 : i32
      %parallel_loop3A_349 = arith.index_cast %parallel_loop3A_348 : i32 to index
      %parallel_loop3A_350 = arith.index_cast %parallel_loop3A_347 : i32 to index
      %parallel_loop3A_351 = tpu.vector_load %arg8[%parallel_loop3A_349, %parallel_loop3A_350] {strides = array<i32>} : memref<8x128xi32, #tpu.memory_space<vmem>>, vector<16xi32>,
      tpu.vector_store %arg8[%parallel_loop3A_349, %parallel_loop3A_350], %parallel_loop3A_345 {strides = array<i32>} : memref<8x128xi32, #tpu.memory_space<vmem>>, vector<16xi32>,
    } {sc.loop_unroll_factor = 2 : i64, sc.parallel_access}
    %dma_start3A_37 = arith.constant 0 : i32
    %dma_start3A_38 = arith.constant 0 : i32
    %dma_start3A_39 = arith.constant 0 : i32
    %dma_start3A_40 = tpu.memref_slice %arg9[%dma_start3A_38, %dma_start3A_39] : memref<8x128xf32, #tpu.memory_space<vmem>> -> memref<1x128xf32, #tpu.memory_space<vmem>>
    %dma_start3A_41 = tpu.memref_squeeze %dma_start3A_40 : memref<1x128xf32, #tpu.memory_space<vmem>> -> memref<128xf32, #tpu.memory_space<vmem>>
    %dma_start3A_42 = arith.constant 0 : i32
    %dma_start3A_43 = tpu.memref_slice %arg8[%dma_start3A_37, %dma_start3A_42] : memref<8x128xi32, #tpu.memory_space<vmem>> -> memref<1x128xi32, #tpu.memory_space<vmem>>
    %dma_start3A_44 = tpu.memref_squeeze %dma_start3A_43 : memref<1x128xi32, #tpu.memory_space<vmem>> -> memref<128xi32, #tpu.memory_space<vmem>>
    %dma_start3A_45 = arith.constant 0 : i32
    %dma_start3A_46 = tpu.memref_slice %arg4[%dma_start3A_45] : memref<67108864xf32, #tpu.memory_space<hbm>> -> memref<67108864xf32, #tpu.memory_space<hbm>>
    tpu.enqueue_indirect_dma source(%dma_start3A_46 : memref<67108864xf32, #tpu.memory_space<hbm>>) target(%dma_start3A_41 : memref<128xf32, #tpu.memory_space<vmem>>) offsets(%dma_start3A_44 : memref<128xi32, #tpu.memory_space<vmem>>) semaphore(%arg16 : memref<!tpu.dma_semaphore, #tpu.memory_space<semaphore_mem>>)
    %parallel_loop3A_47 = arith.constant 0 : i32
    %parallel_loop3A_48 = arith.constant 8 : i32
    %parallel_loop3A_49 = arith.constant 1 : i32
    scf.for %parallel_loop3A_307 = %parallel_loop3A_47 to %parallel_loop3A_48 step %parallel_loop3A_49  : i32 {
      %parallel_loop3A_308 = arith.constant 16 : i32
      %parallel_loop3A_309 = arith.muli %parallel_loop3A_307, %parallel_loop3A_308 : i32
      %parallel_loop3A_310 = arith.constant 128 : i32
      %parallel_loop3A_311 = arith.addi %parallel_loop3A_310, %parallel_loop3A_309 : i32
      %parallel_loop3A_312 = arith.index_cast %parallel_loop3A_311 : i32 to index
      %parallel_loop3A_313 = tpu.vector_load %arg7[%parallel_loop3A_312] {strides = array<i32>} : memref<1040xi32, #tpu.memory_space<vmem>>, vector<16xi32>,
      %parallel_loop3A_314 = arith.constant 16 : i32
      %parallel_loop3A_315 = arith.muli %parallel_loop3A_307, %parallel_loop3A_314 : i32
      %parallel_loop3A_316 = arith.constant 128 : i32
      %parallel_loop3A_317 = arith.addi %parallel_loop3A_316, %parallel_loop3A_315 : i32
      %parallel_loop3A_318 = arith.constant 1 : i32
      %parallel_loop3A_319 = arith.addi %parallel_loop3A_317, %parallel_loop3A_318 : i32
      %parallel_loop3A_320 = arith.index_cast %parallel_loop3A_319 : i32 to index
      %parallel_loop3A_321 = tpu.vector_load %arg7[%parallel_loop3A_320] {strides = array<i32>} : memref<1040xi32, #tpu.memory_space<vmem>>, vector<16xi32>,
      %parallel_loop3A_322 = arith.constant 3 : i32
      %parallel_loop3A_323 = vector.broadcast %parallel_loop3A_322 : i32 to vector<16xi32>
      %parallel_loop3A_324 = arith.shrsi %parallel_loop3A_313, %parallel_loop3A_323 : vector<16xi32>
      %parallel_loop3A_325 = arith.constant 16 : i32
      %parallel_loop3A_326 = vector.broadcast %parallel_loop3A_325 : i32 to vector<16xi32>
      %parallel_loop3A_327 = arith.shli %parallel_loop3A_324, %parallel_loop3A_326 : vector<16xi32>
      %parallel_loop3A_328 = arith.constant 7 : i32
      %parallel_loop3A_329 = vector.broadcast %parallel_loop3A_328 : i32 to vector<16xi32>
      %parallel_loop3A_330 = arith.shrsi %parallel_loop3A_321, %parallel_loop3A_329 : vector<16xi32>
      %parallel_loop3A_331 = arith.constant 10 : i32
      %parallel_loop3A_332 = vector.broadcast %parallel_loop3A_331 : i32 to vector<16xi32>
      %parallel_loop3A_333 = arith.shli %parallel_loop3A_330, %parallel_loop3A_332 : vector<16xi32>
      %parallel_loop3A_334 = arith.addi %parallel_loop3A_327, %parallel_loop3A_333 : vector<16xi32>
      %parallel_loop3A_335 = arith.constant 7 : i32
      %parallel_loop3A_336 = vector.broadcast %parallel_loop3A_335 : i32 to vector<16xi32>
      %parallel_loop3A_337 = arith.andi %parallel_loop3A_313, %parallel_loop3A_336 : vector<16xi32>
      %parallel_loop3A_338 = arith.constant 7 : i32
      %parallel_loop3A_339 = vector.broadcast %parallel_loop3A_338 : i32 to vector<16xi32>
      %parallel_loop3A_340 = arith.shli %parallel_loop3A_337, %parallel_loop3A_339 : vector<16xi32>
      %parallel_loop3A_341 = arith.addi %parallel_loop3A_334, %parallel_loop3A_340 : vector<16xi32>
      %parallel_loop3A_342 = arith.constant 127 : i32
      %parallel_loop3A_343 = vector.broadcast %parallel_loop3A_342 : i32 to vector<16xi32>
      %parallel_loop3A_344 = arith.andi %parallel_loop3A_321, %parallel_loop3A_343 : vector<16xi32>
      %parallel_loop3A_345 = arith.addi %parallel_loop3A_341, %parallel_loop3A_344 : vector<16xi32>
      %parallel_loop3A_346 = arith.constant 16 : i32
      %parallel_loop3A_347 = arith.muli %parallel_loop3A_307, %parallel_loop3A_346 : i32
      %parallel_loop3A_348 = arith.constant 1 : i32
      %parallel_loop3A_349 = arith.index_cast %parallel_loop3A_348 : i32 to index
      %parallel_loop3A_350 = arith.index_cast %parallel_loop3A_347 : i32 to index
      %parallel_loop3A_351 = tpu.vector_load %arg8[%parallel_loop3A_349, %parallel_loop3A_350] {strides = array<i32>} : memref<8x128xi32, #tpu.memory_space<vmem>>, vector<16xi32>,
      tpu.vector_store %arg8[%parallel_loop3A_349, %parallel_loop3A_350], %parallel_loop3A_345 {strides = array<i32>} : memref<8x128xi32, #tpu.memory_space<vmem>>, vector<16xi32>,
    } {sc.loop_unroll_factor = 2 : i64, sc.parallel_access}
    %dma_start3A_50 = arith.constant 1 : i32
    %dma_start3A_51 = arith.constant 1 : i32
    %dma_start3A_52 = arith.constant 0 : i32
    %dma_start3A_53 = tpu.memref_slice %arg9[%dma_start3A_51, %dma_start3A_52] : memref<8x128xf32, #tpu.memory_space<vmem>> -> memref<1x128xf32, #tpu.memory_space<vmem>>
    %dma_start3A_54 = tpu.memref_squeeze %dma_start3A_53 : memref<1x128xf32, #tpu.memory_space<vmem>> -> memref<128xf32, #tpu.memory_space<vmem>>
    %dma_start3A_55 = arith.constant 0 : i32
    %dma_start3A_56 = tpu.memref_slice %arg8[%dma_start3A_50, %dma_start3A_55] : memref<8x128xi32, #tpu.memory_space<vmem>> -> memref<1x128xi32, #tpu.memory_space<vmem>>
    %dma_start3A_57 = tpu.memref_squeeze %dma_start3A_56 : memref<1x128xi32, #tpu.memory_space<vmem>> -> memref<128xi32, #tpu.memory_space<vmem>>
    %dma_start3A_58 = arith.constant 0 : i32
    %dma_start3A_59 = tpu.memref_slice %arg4[%dma_start3A_58] : memref<67108864xf32, #tpu.memory_space<hbm>> -> memref<67108864xf32, #tpu.memory_space<hbm>>
    tpu.enqueue_indirect_dma source(%dma_start3A_59 : memref<67108864xf32, #tpu.memory_space<hbm>>) target(%dma_start3A_54 : memref<128xf32, #tpu.memory_space<vmem>>) offsets(%dma_start3A_57 : memref<128xi32, #tpu.memory_space<vmem>>) semaphore(%arg16 : memref<!tpu.dma_semaphore, #tpu.memory_space<semaphore_mem>>)
    %parallel_loop3A_60 = arith.constant 0 : i32
    %parallel_loop3A_61 = arith.constant 8 : i32
    %parallel_loop3A_62 = arith.constant 1 : i32
    scf.for %parallel_loop3A_307 = %parallel_loop3A_60 to %parallel_loop3A_61 step %parallel_loop3A_62  : i32 {
      %parallel_loop3A_308 = arith.constant 16 : i32
      %parallel_loop3A_309 = arith.muli %parallel_loop3A_307, %parallel_loop3A_308 : i32
      %parallel_loop3A_310 = arith.constant 256 : i32
      %parallel_loop3A_311 = arith.addi %parallel_loop3A_310, %parallel_loop3A_309 : i32
      %parallel_loop3A_312 = arith.index_cast %parallel_loop3A_311 : i32 to index
      %parallel_loop3A_313 = tpu.vector_load %arg7[%parallel_loop3A_312] {strides = array<i32>} : memref<1040xi32, #tpu.memory_space<vmem>>, vector<16xi32>,
      %parallel_loop3A_314 = arith.constant 16 : i32
      %parallel_loop3A_315 = arith.muli %parallel_loop3A_307, %parallel_loop3A_314 : i32
      %parallel_loop3A_316 = arith.constant 256 : i32
      %parallel_loop3A_317 = arith.addi %parallel_loop3A_316, %parallel_loop3A_315 : i32
      %parallel_loop3A_318 = arith.constant 1 : i32
      %parallel_loop3A_319 = arith.addi %parallel_loop3A_317, %parallel_loop3A_318 : i32
      %parallel_loop3A_320 = arith.index_cast %parallel_loop3A_319 : i32 to index
      %parallel_loop3A_321 = tpu.vector_load %arg7[%parallel_loop3A_320] {strides = array<i32>} : memref<1040xi32, #tpu.memory_space<vmem>>, vector<16xi32>,
      %parallel_loop3A_322 = arith.constant 3 : i32
      %parallel_loop3A_323 = vector.broadcast %parallel_loop3A_322 : i32 to vector<16xi32>
      %parallel_loop3A_324 = arith.shrsi %parallel_loop3A_313, %parallel_loop3A_323 : vector<16xi32>
      %parallel_loop3A_325 = arith.constant 16 : i32
      %parallel_loop3A_326 = vector.broadcast %parallel_loop3A_325 : i32 to vector<16xi32>
      %parallel_loop3A_327 = arith.shli %parallel_loop3A_324, %parallel_loop3A_326 : vector<16xi32>
      %parallel_loop3A_328 = arith.constant 7 : i32
      %parallel_loop3A_329 = vector.broadcast %parallel_loop3A_328 : i32 to vector<16xi32>
      %parallel_loop3A_330 = arith.shrsi %parallel_loop3A_321, %parallel_loop3A_329 : vector<16xi32>
      %parallel_loop3A_331 = arith.constant 10 : i32
      %parallel_loop3A_332 = vector.broadcast %parallel_loop3A_331 : i32 to vector<16xi32>
      %parallel_loop3A_333 = arith.shli %parallel_loop3A_330, %parallel_loop3A_332 : vector<16xi32>
      %parallel_loop3A_334 = arith.addi %parallel_loop3A_327, %parallel_loop3A_333 : vector<16xi32>
      %parallel_loop3A_335 = arith.constant 7 : i32
      %parallel_loop3A_336 = vector.broadcast %parallel_loop3A_335 : i32 to vector<16xi32>
      %parallel_loop3A_337 = arith.andi %parallel_loop3A_313, %parallel_loop3A_336 : vector<16xi32>
      %parallel_loop3A_338 = arith.constant 7 : i32
      %parallel_loop3A_339 = vector.broadcast %parallel_loop3A_338 : i32 to vector<16xi32>
      %parallel_loop3A_340 = arith.shli %parallel_loop3A_337, %parallel_loop3A_339 : vector<16xi32>
      %parallel_loop3A_341 = arith.addi %parallel_loop3A_334, %parallel_loop3A_340 : vector<16xi32>
      %parallel_loop3A_342 = arith.constant 127 : i32
      %parallel_loop3A_343 = vector.broadcast %parallel_loop3A_342 : i32 to vector<16xi32>
      %parallel_loop3A_344 = arith.andi %parallel_loop3A_321, %parallel_loop3A_343 : vector<16xi32>
      %parallel_loop3A_345 = arith.addi %parallel_loop3A_341, %parallel_loop3A_344 : vector<16xi32>
      %parallel_loop3A_346 = arith.constant 16 : i32
      %parallel_loop3A_347 = arith.muli %parallel_loop3A_307, %parallel_loop3A_346 : i32
      %parallel_loop3A_348 = arith.constant 2 : i32
      %parallel_loop3A_349 = arith.index_cast %parallel_loop3A_348 : i32 to index
      %parallel_loop3A_350 = arith.index_cast %parallel_loop3A_347 : i32 to index
      %parallel_loop3A_351 = tpu.vector_load %arg8[%parallel_loop3A_349, %parallel_loop3A_350] {strides = array<i32>} : memref<8x128xi32, #tpu.memory_space<vmem>>, vector<16xi32>,
      tpu.vector_store %arg8[%parallel_loop3A_349, %parallel_loop3A_350], %parallel_loop3A_345 {strides = array<i32>} : memref<8x128xi32, #tpu.memory_space<vmem>>, vector<16xi32>,
    } {sc.loop_unroll_factor = 2 : i64, sc.parallel_access}
    %dma_start3A_63 = arith.constant 2 : i32
    %dma_start3A_64 = arith.constant 2 : i32
    %dma_start3A_65 = arith.constant 0 : i32
    %dma_start3A_66 = tpu.memref_slice %arg9[%dma_start3A_64, %dma_start3A_65] : memref<8x128xf32, #tpu.memory_space<vmem>> -> memref<1x128xf32, #tpu.memory_space<vmem>>
    %dma_start3A_67 = tpu.memref_squeeze %dma_start3A_66 : memref<1x128xf32, #tpu.memory_space<vmem>> -> memref<128xf32, #tpu.memory_space<vmem>>
    %dma_start3A_68 = arith.constant 0 : i32
    %dma_start3A_69 = tpu.memref_slice %arg8[%dma_start3A_63, %dma_start3A_68] : memref<8x128xi32, #tpu.memory_space<vmem>> -> memref<1x128xi32, #tpu.memory_space<vmem>>
    %dma_start3A_70 = tpu.memref_squeeze %dma_start3A_69 : memref<1x128xi32, #tpu.memory_space<vmem>> -> memref<128xi32, #tpu.memory_space<vmem>>
    %dma_start3A_71 = arith.constant 0 : i32
    %dma_start3A_72 = tpu.memref_slice %arg4[%dma_start3A_71] : memref<67108864xf32, #tpu.memory_space<hbm>> -> memref<67108864xf32, #tpu.memory_space<hbm>>
    tpu.enqueue_indirect_dma source(%dma_start3A_72 : memref<67108864xf32, #tpu.memory_space<hbm>>) target(%dma_start3A_67 : memref<128xf32, #tpu.memory_space<vmem>>) offsets(%dma_start3A_70 : memref<128xi32, #tpu.memory_space<vmem>>) semaphore(%arg16 : memref<!tpu.dma_semaphore, #tpu.memory_space<semaphore_mem>>)
    %parallel_loop3A_73 = arith.constant 0 : i32
    %parallel_loop3A_74 = arith.constant 8 : i32
    %parallel_loop3A_75 = arith.constant 1 : i32
    scf.for %parallel_loop3A_307 = %parallel_loop3A_73 to %parallel_loop3A_74 step %parallel_loop3A_75  : i32 {
      %parallel_loop3A_308 = arith.constant 16 : i32
      %parallel_loop3A_309 = arith.muli %parallel_loop3A_307, %parallel_loop3A_308 : i32
      %parallel_loop3A_310 = arith.constant 384 : i32
      %parallel_loop3A_311 = arith.addi %parallel_loop3A_310, %parallel_loop3A_309 : i32
      %parallel_loop3A_312 = arith.index_cast %parallel_loop3A_311 : i32 to index
      %parallel_loop3A_313 = tpu.vector_load %arg7[%parallel_loop3A_312] {strides = array<i32>} : memref<1040xi32, #tpu.memory_space<vmem>>, vector<16xi32>,
      %parallel_loop3A_314 = arith.constant 16 : i32
      %parallel_loop3A_315 = arith.muli %parallel_loop3A_307, %parallel_loop3A_314 : i32
      %parallel_loop3A_316 = arith.constant 384 : i32
      %parallel_loop3A_317 = arith.addi %parallel_loop3A_316, %parallel_loop3A_315 : i32
      %parallel_loop3A_318 = arith.constant 1 : i32
      %parallel_loop3A_319 = arith.addi %parallel_loop3A_317, %parallel_loop3A_318 : i32
      %parallel_loop3A_320 = arith.index_cast %parallel_loop3A_319 : i32 to index
      %parallel_loop3A_321 = tpu.vector_load %arg7[%parallel_loop3A_320] {strides = array<i32>} : memref<1040xi32, #tpu.memory_space<vmem>>, vector<16xi32>,
      %parallel_loop3A_322 = arith.constant 3 : i32
      %parallel_loop3A_323 = vector.broadcast %parallel_loop3A_322 : i32 to vector<16xi32>
      %parallel_loop3A_324 = arith.shrsi %parallel_loop3A_313, %parallel_loop3A_323 : vector<16xi32>
      %parallel_loop3A_325 = arith.constant 16 : i32
      %parallel_loop3A_326 = vector.broadcast %parallel_loop3A_325 : i32 to vector<16xi32>
      %parallel_loop3A_327 = arith.shli %parallel_loop3A_324, %parallel_loop3A_326 : vector<16xi32>
      %parallel_loop3A_328 = arith.constant 7 : i32
      %parallel_loop3A_329 = vector.broadcast %parallel_loop3A_328 : i32 to vector<16xi32>
      %parallel_loop3A_330 = arith.shrsi %parallel_loop3A_321, %parallel_loop3A_329 : vector<16xi32>
      %parallel_loop3A_331 = arith.constant 10 : i32
      %parallel_loop3A_332 = vector.broadcast %parallel_loop3A_331 : i32 to vector<16xi32>
      %parallel_loop3A_333 = arith.shli %parallel_loop3A_330, %parallel_loop3A_332 : vector<16xi32>
      %parallel_loop3A_334 = arith.addi %parallel_loop3A_327, %parallel_loop3A_333 : vector<16xi32>
      %parallel_loop3A_335 = arith.constant 7 : i32
      %parallel_loop3A_336 = vector.broadcast %parallel_loop3A_335 : i32 to vector<16xi32>
      %parallel_loop3A_337 = arith.andi %parallel_loop3A_313, %parallel_loop3A_336 : vector<16xi32>
      %parallel_loop3A_338 = arith.constant 7 : i32
      %parallel_loop3A_339 = vector.broadcast %parallel_loop3A_338 : i32 to vector<16xi32>
      %parallel_loop3A_340 = arith.shli %parallel_loop3A_337, %parallel_loop3A_339 : vector<16xi32>
      %parallel_loop3A_341 = arith.addi %parallel_loop3A_334, %parallel_loop3A_340 : vector<16xi32>
      %parallel_loop3A_342 = arith.constant 127 : i32
      %parallel_loop3A_343 = vector.broadcast %parallel_loop3A_342 : i32 to vector<16xi32>
      %parallel_loop3A_344 = arith.andi %parallel_loop3A_321, %parallel_loop3A_343 : vector<16xi32>
      %parallel_loop3A_345 = arith.addi %parallel_loop3A_341, %parallel_loop3A_344 : vector<16xi32>
      %parallel_loop3A_346 = arith.constant 16 : i32
      %parallel_loop3A_347 = arith.muli %parallel_loop3A_307, %parallel_loop3A_346 : i32
      %parallel_loop3A_348 = arith.constant 3 : i32
      %parallel_loop3A_349 = arith.index_cast %parallel_loop3A_348 : i32 to index
      %parallel_loop3A_350 = arith.index_cast %parallel_loop3A_347 : i32 to index
      %parallel_loop3A_351 = tpu.vector_load %arg8[%parallel_loop3A_349, %parallel_loop3A_350] {strides = array<i32>} : memref<8x128xi32, #tpu.memory_space<vmem>>, vector<16xi32>,
      tpu.vector_store %arg8[%parallel_loop3A_349, %parallel_loop3A_350], %parallel_loop3A_345 {strides = array<i32>} : memref<8x128xi32, #tpu.memory_space<vmem>>, vector<16xi32>,
    } {sc.loop_unroll_factor = 2 : i64, sc.parallel_access}
    %dma_start3A_76 = arith.constant 3 : i32
    %dma_start3A_77 = arith.constant 3 : i32
    %dma_start3A_78 = arith.constant 0 : i32
    %dma_start3A_79 = tpu.memref_slice %arg9[%dma_start3A_77, %dma_start3A_78] : memref<8x128xf32, #tpu.memory_space<vmem>> -> memref<1x128xf32, #tpu.memory_space<vmem>>
    %dma_start3A_80 = tpu.memref_squeeze %dma_start3A_79 : memref<1x128xf32, #tpu.memory_space<vmem>> -> memref<128xf32, #tpu.memory_space<vmem>>
    %dma_start3A_81 = arith.constant 0 : i32
    %dma_start3A_82 = tpu.memref_slice %arg8[%dma_start3A_76, %dma_start3A_81] : memref<8x128xi32, #tpu.memory_space<vmem>> -> memref<1x128xi32, #tpu.memory_space<vmem>>
    %dma_start3A_83 = tpu.memref_squeeze %dma_start3A_82 : memref<1x128xi32, #tpu.memory_space<vmem>> -> memref<128xi32, #tpu.memory_space<vmem>>
    %dma_start3A_84 = arith.constant 0 : i32
    %dma_start3A_85 = tpu.memref_slice %arg4[%dma_start3A_84] : memref<67108864xf32, #tpu.memory_space<hbm>> -> memref<67108864xf32, #tpu.memory_space<hbm>>
    tpu.enqueue_indirect_dma source(%dma_start3A_85 : memref<67108864xf32, #tpu.memory_space<hbm>>) target(%dma_start3A_80 : memref<128xf32, #tpu.memory_space<vmem>>) offsets(%dma_start3A_83 : memref<128xi32, #tpu.memory_space<vmem>>) semaphore(%arg16 : memref<!tpu.dma_semaphore, #tpu.memory_space<semaphore_mem>>)
    %parallel_loop3A_86 = arith.constant 0 : i32
    %parallel_loop3A_87 = arith.constant 8 : i32
    %parallel_loop3A_88 = arith.constant 1 : i32
    scf.for %parallel_loop3A_307 = %parallel_loop3A_86 to %parallel_loop3A_87 step %parallel_loop3A_88  : i32 {
      %parallel_loop3A_308 = arith.constant 16 : i32
      %parallel_loop3A_309 = arith.muli %parallel_loop3A_307, %parallel_loop3A_308 : i32
      %parallel_loop3A_310 = arith.constant 512 : i32
      %parallel_loop3A_311 = arith.addi %parallel_loop3A_310, %parallel_loop3A_309 : i32
      %parallel_loop3A_312 = arith.index_cast %parallel_loop3A_311 : i32 to index
      %parallel_loop3A_313 = tpu.vector_load %arg7[%parallel_loop3A_312] {strides = array<i32>} : memref<1040xi32, #tpu.memory_space<vmem>>, vector<16xi32>,
      %parallel_loop3A_314 = arith.constant 16 : i32
      %parallel_loop3A_315 = arith.muli %parallel_loop3A_307, %parallel_loop3A_314 : i32
      %parallel_loop3A_316 = arith.constant 512 : i32
      %parallel_loop3A_317 = arith.addi %parallel_loop3A_316, %parallel_loop3A_315 : i32
      %parallel_loop3A_318 = arith.constant 1 : i32
      %parallel_loop3A_319 = arith.addi %parallel_loop3A_317, %parallel_loop3A_318 : i32
      %parallel_loop3A_320 = arith.index_cast %parallel_loop3A_319 : i32 to index
      %parallel_loop3A_321 = tpu.vector_load %arg7[%parallel_loop3A_320] {strides = array<i32>} : memref<1040xi32, #tpu.memory_space<vmem>>, vector<16xi32>,
      %parallel_loop3A_322 = arith.constant 3 : i32
      %parallel_loop3A_323 = vector.broadcast %parallel_loop3A_322 : i32 to vector<16xi32>
      %parallel_loop3A_324 = arith.shrsi %parallel_loop3A_313, %parallel_loop3A_323 : vector<16xi32>
      %parallel_loop3A_325 = arith.constant 16 : i32
      %parallel_loop3A_326 = vector.broadcast %parallel_loop3A_325 : i32 to vector<16xi32>
      %parallel_loop3A_327 = arith.shli %parallel_loop3A_324, %parallel_loop3A_326 : vector<16xi32>
      %parallel_loop3A_328 = arith.constant 7 : i32
      %parallel_loop3A_329 = vector.broadcast %parallel_loop3A_328 : i32 to vector<16xi32>
      %parallel_loop3A_330 = arith.shrsi %parallel_loop3A_321, %parallel_loop3A_329 : vector<16xi32>
      %parallel_loop3A_331 = arith.constant 10 : i32
      %parallel_loop3A_332 = vector.broadcast %parallel_loop3A_331 : i32 to vector<16xi32>
      %parallel_loop3A_333 = arith.shli %parallel_loop3A_330, %parallel_loop3A_332 : vector<16xi32>
      %parallel_loop3A_334 = arith.addi %parallel_loop3A_327, %parallel_loop3A_333 : vector<16xi32>
      %parallel_loop3A_335 = arith.constant 7 : i32
      %parallel_loop3A_336 = vector.broadcast %parallel_loop3A_335 : i32 to vector<16xi32>
      %parallel_loop3A_337 = arith.andi %parallel_loop3A_313, %parallel_loop3A_336 : vector<16xi32>
      %parallel_loop3A_338 = arith.constant 7 : i32
      %parallel_loop3A_339 = vector.broadcast %parallel_loop3A_338 : i32 to vector<16xi32>
      %parallel_loop3A_340 = arith.shli %parallel_loop3A_337, %parallel_loop3A_339 : vector<16xi32>
      %parallel_loop3A_341 = arith.addi %parallel_loop3A_334, %parallel_loop3A_340 : vector<16xi32>
      %parallel_loop3A_342 = arith.constant 127 : i32
      %parallel_loop3A_343 = vector.broadcast %parallel_loop3A_342 : i32 to vector<16xi32>
      %parallel_loop3A_344 = arith.andi %parallel_loop3A_321, %parallel_loop3A_343 : vector<16xi32>
      %parallel_loop3A_345 = arith.addi %parallel_loop3A_341, %parallel_loop3A_344 : vector<16xi32>
      %parallel_loop3A_346 = arith.constant 16 : i32
      %parallel_loop3A_347 = arith.muli %parallel_loop3A_307, %parallel_loop3A_346 : i32
      %parallel_loop3A_348 = arith.constant 4 : i32
      %parallel_loop3A_349 = arith.index_cast %parallel_loop3A_348 : i32 to index
      %parallel_loop3A_350 = arith.index_cast %parallel_loop3A_347 : i32 to index
      %parallel_loop3A_351 = tpu.vector_load %arg8[%parallel_loop3A_349, %parallel_loop3A_350] {strides = array<i32>} : memref<8x128xi32, #tpu.memory_space<vmem>>, vector<16xi32>,
      tpu.vector_store %arg8[%parallel_loop3A_349, %parallel_loop3A_350], %parallel_loop3A_345 {strides = array<i32>} : memref<8x128xi32, #tpu.memory_space<vmem>>, vector<16xi32>,
    } {sc.loop_unroll_factor = 2 : i64, sc.parallel_access}
    %dma_start3A_89 = arith.constant 4 : i32
    %dma_start3A_90 = arith.constant 4 : i32
    %dma_start3A_91 = arith.constant 0 : i32
    %dma_start3A_92 = tpu.memref_slice %arg9[%dma_start3A_90, %dma_start3A_91] : memref<8x128xf32, #tpu.memory_space<vmem>> -> memref<1x128xf32, #tpu.memory_space<vmem>>
    %dma_start3A_93 = tpu.memref_squeeze %dma_start3A_92 : memref<1x128xf32, #tpu.memory_space<vmem>> -> memref<128xf32, #tpu.memory_space<vmem>>
    %dma_start3A_94 = arith.constant 0 : i32
    %dma_start3A_95 = tpu.memref_slice %arg8[%dma_start3A_89, %dma_start3A_94] : memref<8x128xi32, #tpu.memory_space<vmem>> -> memref<1x128xi32, #tpu.memory_space<vmem>>
    %dma_start3A_96 = tpu.memref_squeeze %dma_start3A_95 : memref<1x128xi32, #tpu.memory_space<vmem>> -> memref<128xi32, #tpu.memory_space<vmem>>
    %dma_start3A_97 = arith.constant 0 : i32
    %dma_start3A_98 = tpu.memref_slice %arg4[%dma_start3A_97] : memref<67108864xf32, #tpu.memory_space<hbm>> -> memref<67108864xf32, #tpu.memory_space<hbm>>
    tpu.enqueue_indirect_dma source(%dma_start3A_98 : memref<67108864xf32, #tpu.memory_space<hbm>>) target(%dma_start3A_93 : memref<128xf32, #tpu.memory_space<vmem>>) offsets(%dma_start3A_96 : memref<128xi32, #tpu.memory_space<vmem>>) semaphore(%arg16 : memref<!tpu.dma_semaphore, #tpu.memory_space<semaphore_mem>>)
    %parallel_loop3A_99 = arith.constant 0 : i32
    %parallel_loop3A_100 = arith.constant 8 : i32
    %parallel_loop3A_101 = arith.constant 1 : i32
    scf.for %parallel_loop3A_307 = %parallel_loop3A_99 to %parallel_loop3A_100 step %parallel_loop3A_101  : i32 {
      %parallel_loop3A_308 = arith.constant 16 : i32
      %parallel_loop3A_309 = arith.muli %parallel_loop3A_307, %parallel_loop3A_308 : i32
      %parallel_loop3A_310 = arith.constant 640 : i32
      %parallel_loop3A_311 = arith.addi %parallel_loop3A_310, %parallel_loop3A_309 : i32
      %parallel_loop3A_312 = arith.index_cast %parallel_loop3A_311 : i32 to index
      %parallel_loop3A_313 = tpu.vector_load %arg7[%parallel_loop3A_312] {strides = array<i32>} : memref<1040xi32, #tpu.memory_space<vmem>>, vector<16xi32>,
      %parallel_loop3A_314 = arith.constant 16 : i32
      %parallel_loop3A_315 = arith.muli %parallel_loop3A_307, %parallel_loop3A_314 : i32
      %parallel_loop3A_316 = arith.constant 640 : i32
      %parallel_loop3A_317 = arith.addi %parallel_loop3A_316, %parallel_loop3A_315 : i32
      %parallel_loop3A_318 = arith.constant 1 : i32
      %parallel_loop3A_319 = arith.addi %parallel_loop3A_317, %parallel_loop3A_318 : i32
      %parallel_loop3A_320 = arith.index_cast %parallel_loop3A_319 : i32 to index
      %parallel_loop3A_321 = tpu.vector_load %arg7[%parallel_loop3A_320] {strides = array<i32>} : memref<1040xi32, #tpu.memory_space<vmem>>, vector<16xi32>,
      %parallel_loop3A_322 = arith.constant 3 : i32
      %parallel_loop3A_323 = vector.broadcast %parallel_loop3A_322 : i32 to vector<16xi32>
      %parallel_loop3A_324 = arith.shrsi %parallel_loop3A_313, %parallel_loop3A_323 : vector<16xi32>
      %parallel_loop3A_325 = arith.constant 16 : i32
      %parallel_loop3A_326 = vector.broadcast %parallel_loop3A_325 : i32 to vector<16xi32>
      %parallel_loop3A_327 = arith.shli %parallel_loop3A_324, %parallel_loop3A_326 : vector<16xi32>
      %parallel_loop3A_328 = arith.constant 7 : i32
      %parallel_loop3A_329 = vector.broadcast %parallel_loop3A_328 : i32 to vector<16xi32>
      %parallel_loop3A_330 = arith.shrsi %parallel_loop3A_321, %parallel_loop3A_329 : vector<16xi32>
      %parallel_loop3A_331 = arith.constant 10 : i32
      %parallel_loop3A_332 = vector.broadcast %parallel_loop3A_331 : i32 to vector<16xi32>
      %parallel_loop3A_333 = arith.shli %parallel_loop3A_330, %parallel_loop3A_332 : vector<16xi32>
      %parallel_loop3A_334 = arith.addi %parallel_loop3A_327, %parallel_loop3A_333 : vector<16xi32>
      %parallel_loop3A_335 = arith.constant 7 : i32
      %parallel_loop3A_336 = vector.broadcast %parallel_loop3A_335 : i32 to vector<16xi32>
      %parallel_loop3A_337 = arith.andi %parallel_loop3A_313, %parallel_loop3A_336 : vector<16xi32>
      %parallel_loop3A_338 = arith.constant 7 : i32
      %parallel_loop3A_339 = vector.broadcast %parallel_loop3A_338 : i32 to vector<16xi32>
      %parallel_loop3A_340 = arith.shli %parallel_loop3A_337, %parallel_loop3A_339 : vector<16xi32>
      %parallel_loop3A_341 = arith.addi %parallel_loop3A_334, %parallel_loop3A_340 : vector<16xi32>
      %parallel_loop3A_342 = arith.constant 127 : i32
      %parallel_loop3A_343 = vector.broadcast %parallel_loop3A_342 : i32 to vector<16xi32>
      %parallel_loop3A_344 = arith.andi %parallel_loop3A_321, %parallel_loop3A_343 : vector<16xi32>
      %parallel_loop3A_345 = arith.addi %parallel_loop3A_341, %parallel_loop3A_344 : vector<16xi32>
      %parallel_loop3A_346 = arith.constant 16 : i32
      %parallel_loop3A_347 = arith.muli %parallel_loop3A_307, %parallel_loop3A_346 : i32
      %parallel_loop3A_348 = arith.constant 5 : i32
      %parallel_loop3A_349 = arith.index_cast %parallel_loop3A_348 : i32 to index
      %parallel_loop3A_350 = arith.index_cast %parallel_loop3A_347 : i32 to index
      %parallel_loop3A_351 = tpu.vector_load %arg8[%parallel_loop3A_349, %parallel_loop3A_350] {strides = array<i32>} : memref<8x128xi32, #tpu.memory_space<vmem>>, vector<16xi32>,
      tpu.vector_store %arg8[%parallel_loop3A_349, %parallel_loop3A_350], %parallel_loop3A_345 {strides = array<i32>} : memref<8x128xi32, #tpu.memory_space<vmem>>, vector<16xi32>,
    } {sc.loop_unroll_factor = 2 : i64, sc.parallel_access}
    %dma_start3A_102 = arith.constant 5 : i32
    %dma_start3A_103 = arith.constant 5 : i32
    %dma_start3A_104 = arith.constant 0 : i32
    %dma_start3A_105 = tpu.memref_slice %arg9[%dma_start3A_103, %dma_start3A_104] : memref<8x128xf32, #tpu.memory_space<vmem>> -> memref<1x128xf32, #tpu.memory_space<vmem>>
    %dma_start3A_106 = tpu.memref_squeeze %dma_start3A_105 : memref<1x128xf32, #tpu.memory_space<vmem>> -> memref<128xf32, #tpu.memory_space<vmem>>
    %dma_start3A_107 = arith.constant 0 : i32
    %dma_start3A_108 = tpu.memref_slice %arg8[%dma_start3A_102, %dma_start3A_107] : memref<8x128xi32, #tpu.memory_space<vmem>> -> memref<1x128xi32, #tpu.memory_space<vmem>>
    %dma_start3A_109 = tpu.memref_squeeze %dma_start3A_108 : memref<1x128xi32, #tpu.memory_space<vmem>> -> memref<128xi32, #tpu.memory_space<vmem>>
    %dma_start3A_110 = arith.constant 0 : i32
    %dma_start3A_111 = tpu.memref_slice %arg4[%dma_start3A_110] : memref<67108864xf32, #tpu.memory_space<hbm>> -> memref<67108864xf32, #tpu.memory_space<hbm>>
    tpu.enqueue_indirect_dma source(%dma_start3A_111 : memref<67108864xf32, #tpu.memory_space<hbm>>) target(%dma_start3A_106 : memref<128xf32, #tpu.memory_space<vmem>>) offsets(%dma_start3A_109 : memref<128xi32, #tpu.memory_space<vmem>>) semaphore(%arg16 : memref<!tpu.dma_semaphore, #tpu.memory_space<semaphore_mem>>)
    %parallel_loop3A_112 = arith.constant 0 : i32
    %parallel_loop3A_113 = arith.constant 8 : i32
    %parallel_loop3A_114 = arith.constant 1 : i32
    scf.for %parallel_loop3A_307 = %parallel_loop3A_112 to %parallel_loop3A_113 step %parallel_loop3A_114  : i32 {
      %parallel_loop3A_308 = arith.constant 16 : i32
      %parallel_loop3A_309 = arith.muli %parallel_loop3A_307, %parallel_loop3A_308 : i32
      %parallel_loop3A_310 = arith.constant 768 : i32
      %parallel_loop3A_311 = arith.addi %parallel_loop3A_310, %parallel_loop3A_309 : i32
      %parallel_loop3A_312 = arith.index_cast %parallel_loop3A_311 : i32 to index
      %parallel_loop3A_313 = tpu.vector_load %arg7[%parallel_loop3A_312] {strides = array<i32>} : memref<1040xi32, #tpu.memory_space<vmem>>, vector<16xi32>,
      %parallel_loop3A_314 = arith.constant 16 : i32
      %parallel_loop3A_315 = arith.muli %parallel_loop3A_307, %parallel_loop3A_314 : i32
      %parallel_loop3A_316 = arith.constant 768 : i32
      %parallel_loop3A_317 = arith.addi %parallel_loop3A_316, %parallel_loop3A_315 : i32
      %parallel_loop3A_318 = arith.constant 1 : i32
      %parallel_loop3A_319 = arith.addi %parallel_loop3A_317, %parallel_loop3A_318 : i32
      %parallel_loop3A_320 = arith.index_cast %parallel_loop3A_319 : i32 to index
      %parallel_loop3A_321 = tpu.vector_load %arg7[%parallel_loop3A_320] {strides = array<i32>} : memref<1040xi32, #tpu.memory_space<vmem>>, vector<16xi32>,
      %parallel_loop3A_322 = arith.constant 3 : i32
      %parallel_loop3A_323 = vector.broadcast %parallel_loop3A_322 : i32 to vector<16xi32>
      %parallel_loop3A_324 = arith.shrsi %parallel_loop3A_313, %parallel_loop3A_323 : vector<16xi32>
      %parallel_loop3A_325 = arith.constant 16 : i32
      %parallel_loop3A_326 = vector.broadcast %parallel_loop3A_325 : i32 to vector<16xi32>
      %parallel_loop3A_327 = arith.shli %parallel_loop3A_324, %parallel_loop3A_326 : vector<16xi32>
      %parallel_loop3A_328 = arith.constant 7 : i32
      %parallel_loop3A_329 = vector.broadcast %parallel_loop3A_328 : i32 to vector<16xi32>
      %parallel_loop3A_330 = arith.shrsi %parallel_loop3A_321, %parallel_loop3A_329 : vector<16xi32>
      %parallel_loop3A_331 = arith.constant 10 : i32
      %parallel_loop3A_332 = vector.broadcast %parallel_loop3A_331 : i32 to vector<16xi32>
      %parallel_loop3A_333 = arith.shli %parallel_loop3A_330, %parallel_loop3A_332 : vector<16xi32>
      %parallel_loop3A_334 = arith.addi %parallel_loop3A_327, %parallel_loop3A_333 : vector<16xi32>
      %parallel_loop3A_335 = arith.constant 7 : i32
      %parallel_loop3A_336 = vector.broadcast %parallel_loop3A_335 : i32 to vector<16xi32>
      %parallel_loop3A_337 = arith.andi %parallel_loop3A_313, %parallel_loop3A_336 : vector<16xi32>
      %parallel_loop3A_338 = arith.constant 7 : i32
      %parallel_loop3A_339 = vector.broadcast %parallel_loop3A_338 : i32 to vector<16xi32>
      %parallel_loop3A_340 = arith.shli %parallel_loop3A_337, %parallel_loop3A_339 : vector<16xi32>
      %parallel_loop3A_341 = arith.addi %parallel_loop3A_334, %parallel_loop3A_340 : vector<16xi32>
      %parallel_loop3A_342 = arith.constant 127 : i32
      %parallel_loop3A_343 = vector.broadcast %parallel_loop3A_342 : i32 to vector<16xi32>
      %parallel_loop3A_344 = arith.andi %parallel_loop3A_321, %parallel_loop3A_343 : vector<16xi32>
      %parallel_loop3A_345 = arith.addi %parallel_loop3A_341, %parallel_loop3A_344 : vector<16xi32>
      %parallel_loop3A_346 = arith.constant 16 : i32
      %parallel_loop3A_347 = arith.muli %parallel_loop3A_307, %parallel_loop3A_346 : i32
      %parallel_loop3A_348 = arith.constant 6 : i32
      %parallel_loop3A_349 = arith.index_cast %parallel_loop3A_348 : i32 to index
      %parallel_loop3A_350 = arith.index_cast %parallel_loop3A_347 : i32 to index
      %parallel_loop3A_351 = tpu.vector_load %arg8[%parallel_loop3A_349, %parallel_loop3A_350] {strides = array<i32>} : memref<8x128xi32, #tpu.memory_space<vmem>>, vector<16xi32>,
      tpu.vector_store %arg8[%parallel_loop3A_349, %parallel_loop3A_350], %parallel_loop3A_345 {strides = array<i32>} : memref<8x128xi32, #tpu.memory_space<vmem>>, vector<16xi32>,
    } {sc.loop_unroll_factor = 2 : i64, sc.parallel_access}
    %dma_start3A_115 = arith.constant 6 : i32
    %dma_start3A_116 = arith.constant 6 : i32
    %dma_start3A_117 = arith.constant 0 : i32
    %dma_start3A_118 = tpu.memref_slice %arg9[%dma_start3A_116, %dma_start3A_117] : memref<8x128xf32, #tpu.memory_space<vmem>> -> memref<1x128xf32, #tpu.memory_space<vmem>>
    %dma_start3A_119 = tpu.memref_squeeze %dma_start3A_118 : memref<1x128xf32, #tpu.memory_space<vmem>> -> memref<128xf32, #tpu.memory_space<vmem>>
    %dma_start3A_120 = arith.constant 0 : i32
    %dma_start3A_121 = tpu.memref_slice %arg8[%dma_start3A_115, %dma_start3A_120] : memref<8x128xi32, #tpu.memory_space<vmem>> -> memref<1x128xi32, #tpu.memory_space<vmem>>
    %dma_start3A_122 = tpu.memref_squeeze %dma_start3A_121 : memref<1x128xi32, #tpu.memory_space<vmem>> -> memref<128xi32, #tpu.memory_space<vmem>>
    %dma_start3A_123 = arith.constant 0 : i32
    %dma_start3A_124 = tpu.memref_slice %arg4[%dma_start3A_123] : memref<67108864xf32, #tpu.memory_space<hbm>> -> memref<67108864xf32, #tpu.memory_space<hbm>>
    tpu.enqueue_indirect_dma source(%dma_start3A_124 : memref<67108864xf32, #tpu.memory_space<hbm>>) target(%dma_start3A_119 : memref<128xf32, #tpu.memory_space<vmem>>) offsets(%dma_start3A_122 : memref<128xi32, #tpu.memory_space<vmem>>) semaphore(%arg16 : memref<!tpu.dma_semaphore, #tpu.memory_space<semaphore_mem>>)
    %dma_wait3A = arith.constant 0 : i32
    %dma_wait3A_125 = tpu.memref_slice %arg3[%dma_wait3A] : memref<8192xf32, #tpu.memory_space<hbm>> -> memref<8192xf32, #tpu.memory_space<hbm>>
    tpu.wait_indirect_dma semaphore(%arg15 : memref<!tpu.dma_semaphore, #tpu.memory_space<semaphore_mem>>) src(%dma_wait3A_125 : memref<8192xf32, #tpu.memory_space<hbm>>) dst(%arg10 : memref<16xf32, #tpu.memory_space<vmem>>)
    %convert_element_type3A_126 = arith.extui %eq3A_0 : i1 to i32
    %cond3A_127 = arith.constant 0 : i32
    %cond3A_128 = arith.cmpi ne, %convert_element_type3A_126, %cond3A_127 : i32
    scf.if %cond3A_128 {
      %dma_wait3A_307 = arith.constant 1024 : i32
      %dma_wait3A_308 = tpu.memref_slice %arg7[%dma_wait3A_307] : memref<1040xi32, #tpu.memory_space<vmem>> -> memref<16xi32, #tpu.memory_space<vmem>>
      %dma_wait3A_309 = arith.constant 1024 : i32
      %dma_wait3A_310 = tpu.memref_slice %arg2[%arg1, %dma_wait3A_309] : memref<16x2048xi32, #tpu.memory_space<hbm>> -> memref<1x16xi32, #tpu.memory_space<hbm>>
      %dma_wait3A_311 = tpu.memref_squeeze %dma_wait3A_310 : memref<1x16xi32, #tpu.memory_space<hbm>> -> memref<16xi32, #tpu.memory_space<hbm>>
      %dma_wait3A_312 = arith.constant 1024 : i32
      %dma_wait3A_313 = tpu.memref_slice %arg7[%dma_wait3A_312] : memref<1040xi32, #tpu.memory_space<vmem>> -> memref<16xi32, #tpu.memory_space<vmem>>
      %dma_wait3A_314 = arith.constant 1024 : i32
      %dma_wait3A_315 = tpu.memref_slice %arg2[%arg1, %dma_wait3A_314] : memref<16x2048xi32, #tpu.memory_space<hbm>> -> memref<1x16xi32, #tpu.memory_space<hbm>>
      %dma_wait3A_316 = tpu.memref_squeeze %dma_wait3A_315 : memref<1x16xi32, #tpu.memory_space<hbm>> -> memref<16xi32, #tpu.memory_space<hbm>>
      tpu.wait_dma2 semaphore(%arg15 : memref<!tpu.dma_semaphore, #tpu.memory_space<semaphore_mem>>) src(%dma_wait3A_316 : memref<16xi32, #tpu.memory_space<hbm>>) dst(%dma_wait3A_313 : memref<16xi32, #tpu.memory_space<vmem>>)
    } else {
    }
    %parallel_loop3A_129 = arith.constant 0 : i32
    %parallel_loop3A_130 = arith.constant 8 : i32
    %parallel_loop3A_131 = arith.constant 1 : i32
    scf.for %parallel_loop3A_307 = %parallel_loop3A_129 to %parallel_loop3A_130 step %parallel_loop3A_131  : i32 {
      %parallel_loop3A_308 = arith.constant 16 : i32
      %parallel_loop3A_309 = arith.muli %parallel_loop3A_307, %parallel_loop3A_308 : i32
      %parallel_loop3A_310 = arith.constant 896 : i32
      %parallel_loop3A_311 = arith.addi %parallel_loop3A_310, %parallel_loop3A_309 : i32
      %parallel_loop3A_312 = arith.index_cast %parallel_loop3A_311 : i32 to index
      %parallel_loop3A_313 = tpu.vector_load %arg7[%parallel_loop3A_312] {strides = array<i32>} : memref<1040xi32, #tpu.memory_space<vmem>>, vector<16xi32>,
      %parallel_loop3A_314 = arith.constant 16 : i32
      %parallel_loop3A_315 = arith.muli %parallel_loop3A_307, %parallel_loop3A_314 : i32
      %parallel_loop3A_316 = arith.constant 896 : i32
      %parallel_loop3A_317 = arith.addi %parallel_loop3A_316, %parallel_loop3A_315 : i32
      %parallel_loop3A_318 = arith.constant 1 : i32
      %parallel_loop3A_319 = arith.addi %parallel_loop3A_317, %parallel_loop3A_318 : i32
      %parallel_loop3A_320 = arith.index_cast %parallel_loop3A_319 : i32 to index
      %parallel_loop3A_321 = tpu.vector_load %arg7[%parallel_loop3A_320] {strides = array<i32>} : memref<1040xi32, #tpu.memory_space<vmem>>, vector<16xi32>,
      %parallel_loop3A_322 = arith.constant 3 : i32
      %parallel_loop3A_323 = vector.broadcast %parallel_loop3A_322 : i32 to vector<16xi32>
      %parallel_loop3A_324 = arith.shrsi %parallel_loop3A_313, %parallel_loop3A_323 : vector<16xi32>
      %parallel_loop3A_325 = arith.constant 16 : i32
      %parallel_loop3A_326 = vector.broadcast %parallel_loop3A_325 : i32 to vector<16xi32>
      %parallel_loop3A_327 = arith.shli %parallel_loop3A_324, %parallel_loop3A_326 : vector<16xi32>
      %parallel_loop3A_328 = arith.constant 7 : i32
      %parallel_loop3A_329 = vector.broadcast %parallel_loop3A_328 : i32 to vector<16xi32>
      %parallel_loop3A_330 = arith.shrsi %parallel_loop3A_321, %parallel_loop3A_329 : vector<16xi32>
      %parallel_loop3A_331 = arith.constant 10 : i32
      %parallel_loop3A_332 = vector.broadcast %parallel_loop3A_331 : i32 to vector<16xi32>
      %parallel_loop3A_333 = arith.shli %parallel_loop3A_330, %parallel_loop3A_332 : vector<16xi32>
      %parallel_loop3A_334 = arith.addi %parallel_loop3A_327, %parallel_loop3A_333 : vector<16xi32>
      %parallel_loop3A_335 = arith.constant 7 : i32
      %parallel_loop3A_336 = vector.broadcast %parallel_loop3A_335 : i32 to vector<16xi32>
      %parallel_loop3A_337 = arith.andi %parallel_loop3A_313, %parallel_loop3A_336 : vector<16xi32>
      %parallel_loop3A_338 = arith.constant 7 : i32
      %parallel_loop3A_339 = vector.broadcast %parallel_loop3A_338 : i32 to vector<16xi32>
      %parallel_loop3A_340 = arith.shli %parallel_loop3A_337, %parallel_loop3A_339 : vector<16xi32>
      %parallel_loop3A_341 = arith.addi %parallel_loop3A_334, %parallel_loop3A_340 : vector<16xi32>
      %parallel_loop3A_342 = arith.constant 127 : i32
      %parallel_loop3A_343 = vector.broadcast %parallel_loop3A_342 : i32 to vector<16xi32>
      %parallel_loop3A_344 = arith.andi %parallel_loop3A_321, %parallel_loop3A_343 : vector<16xi32>
      %parallel_loop3A_345 = arith.addi %parallel_loop3A_341, %parallel_loop3A_344 : vector<16xi32>
      %parallel_loop3A_346 = arith.constant 16 : i32
      %parallel_loop3A_347 = arith.muli %parallel_loop3A_307, %parallel_loop3A_346 : i32
      %parallel_loop3A_348 = arith.constant 7 : i32
      %parallel_loop3A_349 = arith.index_cast %parallel_loop3A_348 : i32 to index
      %parallel_loop3A_350 = arith.index_cast %parallel_loop3A_347 : i32 to index
      %parallel_loop3A_351 = tpu.vector_load %arg8[%parallel_loop3A_349, %parallel_loop3A_350] {strides = array<i32>} : memref<8x128xi32, #tpu.memory_space<vmem>>, vector<16xi32>,
      tpu.vector_store %arg8[%parallel_loop3A_349, %parallel_loop3A_350], %parallel_loop3A_345 {strides = array<i32>} : memref<8x128xi32, #tpu.memory_space<vmem>>, vector<16xi32>,
    } {sc.loop_unroll_factor = 2 : i64, sc.parallel_access}
    %dma_start3A_132 = arith.constant 7 : i32
    %dma_start3A_133 = arith.constant 7 : i32
    %dma_start3A_134 = arith.constant 0 : i32
    %dma_start3A_135 = tpu.memref_slice %arg9[%dma_start3A_133, %dma_start3A_134] : memref<8x128xf32, #tpu.memory_space<vmem>> -> memref<1x128xf32, #tpu.memory_space<vmem>>
    %dma_start3A_136 = tpu.memref_squeeze %dma_start3A_135 : memref<1x128xf32, #tpu.memory_space<vmem>> -> memref<128xf32, #tpu.memory_space<vmem>>
    %dma_start3A_137 = arith.constant 0 : i32
    %dma_start3A_138 = tpu.memref_slice %arg8[%dma_start3A_132, %dma_start3A_137] : memref<8x128xi32, #tpu.memory_space<vmem>> -> memref<1x128xi32, #tpu.memory_space<vmem>>
    %dma_start3A_139 = tpu.memref_squeeze %dma_start3A_138 : memref<1x128xi32, #tpu.memory_space<vmem>> -> memref<128xi32, #tpu.memory_space<vmem>>
    %dma_start3A_140 = arith.constant 0 : i32
    %dma_start3A_141 = tpu.memref_slice %arg4[%dma_start3A_140] : memref<67108864xf32, #tpu.memory_space<hbm>> -> memref<67108864xf32, #tpu.memory_space<hbm>>
    tpu.enqueue_indirect_dma source(%dma_start3A_141 : memref<67108864xf32, #tpu.memory_space<hbm>>) target(%dma_start3A_136 : memref<128xf32, #tpu.memory_space<vmem>>) offsets(%dma_start3A_139 : memref<128xi32, #tpu.memory_space<vmem>>) semaphore(%arg16 : memref<!tpu.dma_semaphore, #tpu.memory_space<semaphore_mem>>)
    %eq3A_142 = arith.constant 0 : i32
    %eq3A_143 = vector.broadcast %eq3A_142 : i32 to vector<16xi32>
    %eq3A_144 = arith.cmpi eq, %iota3A, %eq3A_143 : vector<16xi32>
    %and3A_145 = vector.broadcast %eq3A_0 : i1 to vector<16xi1>
    %and3A_146 = arith.andi %eq3A_144, %and3A_145 : vector<16xi1>
    %get3A_147 = arith.constant 0 : index
    %get3A_148 = tpu.vector_load %arg10[%get3A_147] {strides = array<i32>} : memref<16xf32, #tpu.memory_space<vmem>>, vector<16xf32>,
    %bitcast3A = vector.bitcast %get3A_148 : vector<16xf32> to vector<16xi32>
    %shift_right_arithmetic3A = arith.constant 23 : i32
    %shift_right_arithmetic3A_149 = vector.broadcast %shift_right_arithmetic3A : i32 to vector<16xi32>
    %shift_right_arithmetic3A_150 = arith.shrsi %bitcast3A, %shift_right_arithmetic3A_149 : vector<16xi32>
    %sub3A = arith.constant 127 : i32
    %sub3A_151 = vector.broadcast %sub3A : i32 to vector<16xi32>
    %sub3A_152 = arith.subi %shift_right_arithmetic3A_150, %sub3A_151 : vector<16xi32>
    %convert_element_type3A_153 = arith.sitofp %sub3A_152 : vector<16xi32> to vector<16xf32>
    %and3A_154 = arith.constant 8388607 : i32
    %and3A_155 = vector.broadcast %and3A_154 : i32 to vector<16xi32>
    %and3A_156 = arith.andi %bitcast3A, %and3A_155 : vector<16xi32>
    %or3A = arith.constant 1065353216 : i32
    %or3A_157 = vector.broadcast %or3A : i32 to vector<16xi32>
    %or3A_158 = arith.ori %and3A_156, %or3A_157 : vector<16xi32>
    %bitcast3A_159 = vector.bitcast %or3A_158 : vector<16xi32> to vector<16xf32>
    %sub3A_160 = arith.constant 1.000000e+00 : f32
    %sub3A_161 = vector.broadcast %sub3A_160 : f32 to vector<16xf32>
    %sub3A_162 = arith.subf %bitcast3A_159, %sub3A_161 : vector<16xf32>
    %mul3A_163 = arith.constant -0.00615154486 : f32
    %mul3A_164 = vector.broadcast %mul3A_163 : f32 to vector<16xf32>
    %mul3A_165 = arith.mulf %mul3A_164, %sub3A_162 : vector<16xf32>
    %add3A_166 = arith.constant 0.034850128 : f32
    %add3A_167 = vector.broadcast %add3A_166 : f32 to vector<16xf32>
    %add3A_168 = arith.addf %mul3A_165, %add3A_167 : vector<16xf32>
    %mul3A_169 = arith.mulf %add3A_168, %sub3A_162 : vector<16xf32>
    %add3A_170 = arith.constant -0.093252942 : f32
    %add3A_171 = vector.broadcast %add3A_170 : f32 to vector<16xf32>
    %add3A_172 = arith.addf %mul3A_169, %add3A_171 : vector<16xf32>
    %mul3A_173 = arith.mulf %add3A_172, %sub3A_162 : vector<16xf32>
    %add3A_174 = arith.constant 0.165823758 : f32
    %add3A_175 = vector.broadcast %add3A_174 : f32 to vector<16xf32>
    %add3A_176 = arith.addf %mul3A_173, %add3A_175 : vector<16xf32>
    %mul3A_177 = arith.mulf %add3A_176, %sub3A_162 : vector<16xf32>
    %add3A_178 = arith.constant -0.239826784 : f32
    %add3A_179 = vector.broadcast %add3A_178 : f32 to vector<16xf32>
    %add3A_180 = arith.addf %mul3A_177, %add3A_179 : vector<16xf32>
    %mul3A_181 = arith.mulf %add3A_180, %sub3A_162 : vector<16xf32>
    %add3A_182 = arith.constant 0.33154884 : f32
    %add3A_183 = vector.broadcast %add3A_182 : f32 to vector<16xf32>
    %add3A_184 = arith.addf %mul3A_181, %add3A_183 : vector<16xf32>
    %mul3A_185 = arith.mulf %add3A_184, %sub3A_162 : vector<16xf32>
    %add3A_186 = arith.constant -0.499838591 : f32
    %add3A_187 = vector.broadcast %add3A_186 : f32 to vector<16xf32>
    %add3A_188 = arith.addf %mul3A_185, %add3A_187 : vector<16xf32>
    %mul3A_189 = arith.mulf %add3A_188, %sub3A_162 : vector<16xf32>
    %add3A_190 = arith.constant 0.999994277 : f32
    %add3A_191 = vector.broadcast %add3A_190 : f32 to vector<16xf32>
    %add3A_192 = arith.addf %mul3A_189, %add3A_191 : vector<16xf32>
    %mul3A_193 = arith.mulf %add3A_192, %sub3A_162 : vector<16xf32>
    %add3A_194 = arith.constant 3.38009229E-8 : f32
    %add3A_195 = vector.broadcast %add3A_194 : f32 to vector<16xf32>
    %add3A_196 = arith.addf %mul3A_193, %add3A_195 : vector<16xf32>
    %mul3A_197 = arith.constant 0.693147182 : f32
    %mul3A_198 = vector.broadcast %mul3A_197 : f32 to vector<16xf32>
    %mul3A_199 = arith.mulf %convert_element_type3A_153, %mul3A_198 : vector<16xf32>
    %add3A_200 = arith.addf %mul3A_199, %add3A_196 : vector<16xf32>
    %jit3A_201 = arith.constant 0.000000e+00 : f32
    %broadcast_in_dim3A_202 = vector.broadcast %jit3A_201 : f32 to vector<16xf32>
    %select_n3A_203 = arith.select %and3A_146, %add3A_200, %broadcast_in_dim3A_202 : vector<16xi1>, vector<16xf32>
    %dma_wait3A_204 = arith.constant 0 : i32
    %dma_wait3A_205 = arith.constant 0 : i32
    %dma_wait3A_206 = arith.constant 0 : i32
    %dma_wait3A_207 = tpu.memref_slice %arg9[%dma_wait3A_205, %dma_wait3A_206] : memref<8x128xf32, #tpu.memory_space<vmem>> -> memref<1x128xf32, #tpu.memory_space<vmem>>
    %dma_wait3A_208 = tpu.memref_squeeze %dma_wait3A_207 : memref<1x128xf32, #tpu.memory_space<vmem>> -> memref<128xf32, #tpu.memory_space<vmem>>
    %dma_wait3A_209 = arith.constant 0 : i32
    %dma_wait3A_210 = tpu.memref_slice %arg8[%dma_wait3A_204, %dma_wait3A_209] : memref<8x128xi32, #tpu.memory_space<vmem>> -> memref<1x128xi32, #tpu.memory_space<vmem>>
    %dma_wait3A_211 = tpu.memref_squeeze %dma_wait3A_210 : memref<1x128xi32, #tpu.memory_space<vmem>> -> memref<128xi32, #tpu.memory_space<vmem>>
    %dma_wait3A_212 = arith.constant 0 : i32
    %dma_wait3A_213 = tpu.memref_slice %arg4[%dma_wait3A_212] : memref<67108864xf32, #tpu.memory_space<hbm>> -> memref<67108864xf32, #tpu.memory_space<hbm>>
    tpu.wait_indirect_dma semaphore(%arg16 : memref<!tpu.dma_semaphore, #tpu.memory_space<semaphore_mem>>) src(%dma_wait3A_213 : memref<67108864xf32, #tpu.memory_space<hbm>>) dst(%dma_wait3A_208 : memref<128xf32, #tpu.memory_space<vmem>>)
    %dma_wait3A_214 = arith.constant 1 : i32
    %dma_wait3A_215 = arith.constant 1 : i32
    %dma_wait3A_216 = arith.constant 0 : i32
    %dma_wait3A_217 = tpu.memref_slice %arg9[%dma_wait3A_215, %dma_wait3A_216] : memref<8x128xf32, #tpu.memory_space<vmem>> -> memref<1x128xf32, #tpu.memory_space<vmem>>
    %dma_wait3A_218 = tpu.memref_squeeze %dma_wait3A_217 : memref<1x128xf32, #tpu.memory_space<vmem>> -> memref<128xf32, #tpu.memory_space<vmem>>
    %dma_wait3A_219 = arith.constant 0 : i32
    %dma_wait3A_220 = tpu.memref_slice %arg8[%dma_wait3A_214, %dma_wait3A_219] : memref<8x128xi32, #tpu.memory_space<vmem>> -> memref<1x128xi32, #tpu.memory_space<vmem>>
    %dma_wait3A_221 = tpu.memref_squeeze %dma_wait3A_220 : memref<1x128xi32, #tpu.memory_space<vmem>> -> memref<128xi32, #tpu.memory_space<vmem>>
    %dma_wait3A_222 = arith.constant 0 : i32
    %dma_wait3A_223 = tpu.memref_slice %arg4[%dma_wait3A_222] : memref<67108864xf32, #tpu.memory_space<hbm>> -> memref<67108864xf32, #tpu.memory_space<hbm>>
    tpu.wait_indirect_dma semaphore(%arg16 : memref<!tpu.dma_semaphore, #tpu.memory_space<semaphore_mem>>) src(%dma_wait3A_223 : memref<67108864xf32, #tpu.memory_space<hbm>>) dst(%dma_wait3A_218 : memref<128xf32, #tpu.memory_space<vmem>>)
    %dma_wait3A_224 = arith.constant 2 : i32
    %dma_wait3A_225 = arith.constant 2 : i32
    %dma_wait3A_226 = arith.constant 0 : i32
    %dma_wait3A_227 = tpu.memref_slice %arg9[%dma_wait3A_225, %dma_wait3A_226] : memref<8x128xf32, #tpu.memory_space<vmem>> -> memref<1x128xf32, #tpu.memory_space<vmem>>
    %dma_wait3A_228 = tpu.memref_squeeze %dma_wait3A_227 : memref<1x128xf32, #tpu.memory_space<vmem>> -> memref<128xf32, #tpu.memory_space<vmem>>
    %dma_wait3A_229 = arith.constant 0 : i32
    %dma_wait3A_230 = tpu.memref_slice %arg8[%dma_wait3A_224, %dma_wait3A_229] : memref<8x128xi32, #tpu.memory_space<vmem>> -> memref<1x128xi32, #tpu.memory_space<vmem>>
    %dma_wait3A_231 = tpu.memref_squeeze %dma_wait3A_230 : memref<1x128xi32, #tpu.memory_space<vmem>> -> memref<128xi32, #tpu.memory_space<vmem>>
    %dma_wait3A_232 = arith.constant 0 : i32
    %dma_wait3A_233 = tpu.memref_slice %arg4[%dma_wait3A_232] : memref<67108864xf32, #tpu.memory_space<hbm>> -> memref<67108864xf32, #tpu.memory_space<hbm>>
    tpu.wait_indirect_dma semaphore(%arg16 : memref<!tpu.dma_semaphore, #tpu.memory_space<semaphore_mem>>) src(%dma_wait3A_233 : memref<67108864xf32, #tpu.memory_space<hbm>>) dst(%dma_wait3A_228 : memref<128xf32, #tpu.memory_space<vmem>>)
    %dma_wait3A_234 = arith.constant 3 : i32
    %dma_wait3A_235 = arith.constant 3 : i32
    %dma_wait3A_236 = arith.constant 0 : i32
    %dma_wait3A_237 = tpu.memref_slice %arg9[%dma_wait3A_235, %dma_wait3A_236] : memref<8x128xf32, #tpu.memory_space<vmem>> -> memref<1x128xf32, #tpu.memory_space<vmem>>
    %dma_wait3A_238 = tpu.memref_squeeze %dma_wait3A_237 : memref<1x128xf32, #tpu.memory_space<vmem>> -> memref<128xf32, #tpu.memory_space<vmem>>
    %dma_wait3A_239 = arith.constant 0 : i32
    %dma_wait3A_240 = tpu.memref_slice %arg8[%dma_wait3A_234, %dma_wait3A_239] : memref<8x128xi32, #tpu.memory_space<vmem>> -> memref<1x128xi32, #tpu.memory_space<vmem>>
    %dma_wait3A_241 = tpu.memref_squeeze %dma_wait3A_240 : memref<1x128xi32, #tpu.memory_space<vmem>> -> memref<128xi32, #tpu.memory_space<vmem>>
    %dma_wait3A_242 = arith.constant 0 : i32
    %dma_wait3A_243 = tpu.memref_slice %arg4[%dma_wait3A_242] : memref<67108864xf32, #tpu.memory_space<hbm>> -> memref<67108864xf32, #tpu.memory_space<hbm>>
    tpu.wait_indirect_dma semaphore(%arg16 : memref<!tpu.dma_semaphore, #tpu.memory_space<semaphore_mem>>) src(%dma_wait3A_243 : memref<67108864xf32, #tpu.memory_space<hbm>>) dst(%dma_wait3A_238 : memref<128xf32, #tpu.memory_space<vmem>>)
    %dma_wait3A_244 = arith.constant 4 : i32
    %dma_wait3A_245 = arith.constant 4 : i32
    %dma_wait3A_246 = arith.constant 0 : i32
    %dma_wait3A_247 = tpu.memref_slice %arg9[%dma_wait3A_245, %dma_wait3A_246] : memref<8x128xf32, #tpu.memory_space<vmem>> -> memref<1x128xf32, #tpu.memory_space<vmem>>
    %dma_wait3A_248 = tpu.memref_squeeze %dma_wait3A_247 : memref<1x128xf32, #tpu.memory_space<vmem>> -> memref<128xf32, #tpu.memory_space<vmem>>
    %dma_wait3A_249 = arith.constant 0 : i32
    %dma_wait3A_250 = tpu.memref_slice %arg8[%dma_wait3A_244, %dma_wait3A_249] : memref<8x128xi32, #tpu.memory_space<vmem>> -> memref<1x128xi32, #tpu.memory_space<vmem>>
    %dma_wait3A_251 = tpu.memref_squeeze %dma_wait3A_250 : memref<1x128xi32, #tpu.memory_space<vmem>> -> memref<128xi32, #tpu.memory_space<vmem>>
    %dma_wait3A_252 = arith.constant 0 : i32
    %dma_wait3A_253 = tpu.memref_slice %arg4[%dma_wait3A_252] : memref<67108864xf32, #tpu.memory_space<hbm>> -> memref<67108864xf32, #tpu.memory_space<hbm>>
    tpu.wait_indirect_dma semaphore(%arg16 : memref<!tpu.dma_semaphore, #tpu.memory_space<semaphore_mem>>) src(%dma_wait3A_253 : memref<67108864xf32, #tpu.memory_space<hbm>>) dst(%dma_wait3A_248 : memref<128xf32, #tpu.memory_space<vmem>>)
    %dma_wait3A_254 = arith.constant 5 : i32
    %dma_wait3A_255 = arith.constant 5 : i32
    %dma_wait3A_256 = arith.constant 0 : i32
    %dma_wait3A_257 = tpu.memref_slice %arg9[%dma_wait3A_255, %dma_wait3A_256] : memref<8x128xf32, #tpu.memory_space<vmem>> -> memref<1x128xf32, #tpu.memory_space<vmem>>
    %dma_wait3A_258 = tpu.memref_squeeze %dma_wait3A_257 : memref<1x128xf32, #tpu.memory_space<vmem>> -> memref<128xf32, #tpu.memory_space<vmem>>
    %dma_wait3A_259 = arith.constant 0 : i32
    %dma_wait3A_260 = tpu.memref_slice %arg8[%dma_wait3A_254, %dma_wait3A_259] : memref<8x128xi32, #tpu.memory_space<vmem>> -> memref<1x128xi32, #tpu.memory_space<vmem>>
    %dma_wait3A_261 = tpu.memref_squeeze %dma_wait3A_260 : memref<1x128xi32, #tpu.memory_space<vmem>> -> memref<128xi32, #tpu.memory_space<vmem>>
    %dma_wait3A_262 = arith.constant 0 : i32
    %dma_wait3A_263 = tpu.memref_slice %arg4[%dma_wait3A_262] : memref<67108864xf32, #tpu.memory_space<hbm>> -> memref<67108864xf32, #tpu.memory_space<hbm>>
    tpu.wait_indirect_dma semaphore(%arg16 : memref<!tpu.dma_semaphore, #tpu.memory_space<semaphore_mem>>) src(%dma_wait3A_263 : memref<67108864xf32, #tpu.memory_space<hbm>>) dst(%dma_wait3A_258 : memref<128xf32, #tpu.memory_space<vmem>>)
    %dma_wait3A_264 = arith.constant 6 : i32
    %dma_wait3A_265 = arith.constant 6 : i32
    %dma_wait3A_266 = arith.constant 0 : i32
    %dma_wait3A_267 = tpu.memref_slice %arg9[%dma_wait3A_265, %dma_wait3A_266] : memref<8x128xf32, #tpu.memory_space<vmem>> -> memref<1x128xf32, #tpu.memory_space<vmem>>
    %dma_wait3A_268 = tpu.memref_squeeze %dma_wait3A_267 : memref<1x128xf32, #tpu.memory_space<vmem>> -> memref<128xf32, #tpu.memory_space<vmem>>
    %dma_wait3A_269 = arith.constant 0 : i32
    %dma_wait3A_270 = tpu.memref_slice %arg8[%dma_wait3A_264, %dma_wait3A_269] : memref<8x128xi32, #tpu.memory_space<vmem>> -> memref<1x128xi32, #tpu.memory_space<vmem>>
    %dma_wait3A_271 = tpu.memref_squeeze %dma_wait3A_270 : memref<1x128xi32, #tpu.memory_space<vmem>> -> memref<128xi32, #tpu.memory_space<vmem>>
    %dma_wait3A_272 = arith.constant 0 : i32
    %dma_wait3A_273 = tpu.memref_slice %arg4[%dma_wait3A_272] : memref<67108864xf32, #tpu.memory_space<hbm>> -> memref<67108864xf32, #tpu.memory_space<hbm>>
    tpu.wait_indirect_dma semaphore(%arg16 : memref<!tpu.dma_semaphore, #tpu.memory_space<semaphore_mem>>) src(%dma_wait3A_273 : memref<67108864xf32, #tpu.memory_space<hbm>>) dst(%dma_wait3A_268 : memref<128xf32, #tpu.memory_space<vmem>>)
    %dma_wait3A_274 = arith.constant 7 : i32
    %dma_wait3A_275 = arith.constant 7 : i32
    %dma_wait3A_276 = arith.constant 0 : i32
    %dma_wait3A_277 = tpu.memref_slice %arg9[%dma_wait3A_275, %dma_wait3A_276] : memref<8x128xf32, #tpu.memory_space<vmem>> -> memref<1x128xf32, #tpu.memory_space<vmem>>
    %dma_wait3A_278 = tpu.memref_squeeze %dma_wait3A_277 : memref<1x128xf32, #tpu.memory_space<vmem>> -> memref<128xf32, #tpu.memory_space<vmem>>
    %dma_wait3A_279 = arith.constant 0 : i32
    %dma_wait3A_280 = tpu.memref_slice %arg8[%dma_wait3A_274, %dma_wait3A_279] : memref<8x128xi32, #tpu.memory_space<vmem>> -> memref<1x128xi32, #tpu.memory_space<vmem>>
    %dma_wait3A_281 = tpu.memref_squeeze %dma_wait3A_280 : memref<1x128xi32, #tpu.memory_space<vmem>> -> memref<128xi32, #tpu.memory_space<vmem>>
    %dma_wait3A_282 = arith.constant 0 : i32
    %dma_wait3A_283 = tpu.memref_slice %arg4[%dma_wait3A_282] : memref<67108864xf32, #tpu.memory_space<hbm>> -> memref<67108864xf32, #tpu.memory_space<hbm>>
    tpu.wait_indirect_dma semaphore(%arg16 : memref<!tpu.dma_semaphore, #tpu.memory_space<semaphore_mem>>) src(%dma_wait3A_283 : memref<67108864xf32, #tpu.memory_space<hbm>>) dst(%dma_wait3A_278 : memref<128xf32, #tpu.memory_space<vmem>>)
    %not3A = arith.constant true
    %not3A_284 = arith.xori %eq3A_0, %not3A : i1
    %convert_element_type3A_285 = arith.extui %not3A_284 : i1 to i32
    %cond3A_286 = arith.constant 0 : i32
    %cond3A_287 = arith.cmpi ne, %convert_element_type3A_285, %cond3A_286 : i32
    scf.if %cond3A_287 {
      %get3A_307 = arith.constant 7 : i32
      %get3A_308 = arith.index_cast %get3A_307 : i32 to index
      %get3A_309 = arith.constant 112 : index
      %get3A_310 = tpu.vector_load %arg9[%get3A_308, %get3A_309] {strides = array<i32>} : memref<8x128xf32, #tpu.memory_space<vmem>>, vector<16xf32>,
      %eq3A_311 = arith.constant 15 : i32
      %eq3A_312 = vector.broadcast %eq3A_311 : i32 to vector<16xi32>
      %eq3A_313 = arith.cmpi eq, %iota3A, %eq3A_312 : vector<16xi32>
      %jit3A_314 = arith.constant 1.000000e+00 : f32
      %broadcast_in_dim3A_315 = vector.broadcast %jit3A_314 : f32 to vector<16xf32>
      %select_n3A_316 = arith.select %eq3A_313, %broadcast_in_dim3A_315, %get3A_310 : vector<16xi1>, vector<16xf32>
      %swap3A_317 = arith.constant 7 : i32
      %swap3A_318 = arith.index_cast %swap3A_317 : i32 to index
      %swap3A_319 = arith.constant 112 : index
      %swap3A_320 = tpu.vector_load %arg9[%swap3A_318, %swap3A_319] {strides = array<i32>} : memref<8x128xf32, #tpu.memory_space<vmem>>, vector<16xf32>,
      tpu.vector_store %arg9[%swap3A_318, %swap3A_319], %select_n3A_316 {strides = array<i32>} : memref<8x128xf32, #tpu.memory_space<vmem>>, vector<16xf32>,
    } else {
    }
    %parallel_loop3A_288 = arith.constant 0 : i32
    %parallel_loop3A_289 = arith.constant 64 : i32
    %parallel_loop3A_290 = arith.constant 1 : i32
    %parallel_loop3A_291 = scf.for %parallel_loop3A_307 = %parallel_loop3A_288 to %parallel_loop3A_289 step %parallel_loop3A_290 iter_args(%parallel_loop3A_308 = %select_n3A_203) -> (vector<16xf32>)  : i32 {
      %parallel_loop3A_309 = arith.constant 8 : i32
      %parallel_loop3A_310 = arith.divsi %parallel_loop3A_307, %parallel_loop3A_309 : i32
      %parallel_loop3A_311 = arith.constant 0 : i32
      %parallel_loop3A_312 = arith.cmpi sgt, %parallel_loop3A_307, %parallel_loop3A_311 : i32
      %parallel_loop3A_313 = arith.extui %parallel_loop3A_312 : i1 to i32
      %parallel_loop3A_314 = arith.constant 0 : i32
      %parallel_loop3A_315 = arith.cmpi slt, %parallel_loop3A_307, %parallel_loop3A_314 : i32
      %parallel_loop3A_316 = arith.extui %parallel_loop3A_315 : i1 to i32
      %parallel_loop3A_317 = arith.subi %parallel_loop3A_313, %parallel_loop3A_316 : i32
      %parallel_loop3A_318 = arith.constant 0 : i32
      %parallel_loop3A_319 = arith.cmpi sgt, %parallel_loop3A_309, %parallel_loop3A_318 : i32
      %parallel_loop3A_320 = arith.extui %parallel_loop3A_319 : i1 to i32
      %parallel_loop3A_321 = arith.constant 0 : i32
      %parallel_loop3A_322 = arith.cmpi slt, %parallel_loop3A_309, %parallel_loop3A_321 : i32
      %parallel_loop3A_323 = arith.extui %parallel_loop3A_322 : i1 to i32
      %parallel_loop3A_324 = arith.subi %parallel_loop3A_320, %parallel_loop3A_323 : i32
      %parallel_loop3A_325 = arith.cmpi ne, %parallel_loop3A_317, %parallel_loop3A_324 : i32
      %parallel_loop3A_326 = arith.remsi %parallel_loop3A_307, %parallel_loop3A_309 : i32
      %parallel_loop3A_327 = arith.constant 0 : i32
      %parallel_loop3A_328 = arith.cmpi ne, %parallel_loop3A_326, %parallel_loop3A_327 : i32
      %parallel_loop3A_329 = arith.andi %parallel_loop3A_325, %parallel_loop3A_328 : i1
      %parallel_loop3A_330 = arith.constant 1 : i32
      %parallel_loop3A_331 = arith.subi %parallel_loop3A_310, %parallel_loop3A_330 : i32
      %parallel_loop3A_332 = arith.select %parallel_loop3A_329, %parallel_loop3A_331, %parallel_loop3A_310 : i32
      %parallel_loop3A_333 = arith.constant 8 : i32
      %parallel_loop3A_334 = arith.constant 0 : i32
      %parallel_loop3A_335 = arith.cmpi eq, %parallel_loop3A_333, %parallel_loop3A_334 : i32
      %parallel_loop3A_336 = arith.constant 1 : i32
      %parallel_loop3A_337 = arith.select %parallel_loop3A_335, %parallel_loop3A_336, %parallel_loop3A_333 : i32
      %parallel_loop3A_338 = arith.remsi %parallel_loop3A_307, %parallel_loop3A_337 : i32
      %parallel_loop3A_339 = arith.constant 0 : i32
      %parallel_loop3A_340 = arith.cmpi ne, %parallel_loop3A_338, %parallel_loop3A_339 : i32
      %parallel_loop3A_341 = arith.constant 0 : i32
      %parallel_loop3A_342 = arith.cmpi slt, %parallel_loop3A_338, %parallel_loop3A_341 : i32
      %parallel_loop3A_343 = arith.constant 0 : i32
      %parallel_loop3A_344 = arith.cmpi slt, %parallel_loop3A_337, %parallel_loop3A_343 : i32
      %parallel_loop3A_345 = arith.xori %parallel_loop3A_342, %parallel_loop3A_344 : i1
      %parallel_loop3A_346 = arith.andi %parallel_loop3A_345, %parallel_loop3A_340 : i1
      %parallel_loop3A_347 = arith.addi %parallel_loop3A_338, %parallel_loop3A_337 : i32
      %parallel_loop3A_348 = arith.select %parallel_loop3A_346, %parallel_loop3A_347, %parallel_loop3A_338 : i32
      %parallel_loop3A_349 = arith.constant 16 : i32
      %parallel_loop3A_350 = arith.muli %parallel_loop3A_348, %parallel_loop3A_349 : i32
      %parallel_loop3A_351 = arith.index_cast %parallel_loop3A_332 : i32 to index
      %parallel_loop3A_352 = arith.index_cast %parallel_loop3A_350 : i32 to index
      %parallel_loop3A_353 = tpu.vector_load %arg9[%parallel_loop3A_351, %parallel_loop3A_352] {strides = array<i32>} : memref<8x128xf32, #tpu.memory_space<vmem>>, vector<16xf32>,
      %parallel_loop3A_354 = vector.bitcast %parallel_loop3A_353 : vector<16xf32> to vector<16xi32>
      %parallel_loop3A_355 = arith.constant 23 : i32
      %parallel_loop3A_356 = vector.broadcast %parallel_loop3A_355 : i32 to vector<16xi32>
      %parallel_loop3A_357 = arith.shrsi %parallel_loop3A_354, %parallel_loop3A_356 : vector<16xi32>
      %parallel_loop3A_358 = arith.constant 127 : i32
      %parallel_loop3A_359 = vector.broadcast %parallel_loop3A_358 : i32 to vector<16xi32>
      %parallel_loop3A_360 = arith.subi %parallel_loop3A_357, %parallel_loop3A_359 : vector<16xi32>
      %parallel_loop3A_361 = arith.sitofp %parallel_loop3A_360 : vector<16xi32> to vector<16xf32>
      %parallel_loop3A_362 = arith.constant 8388607 : i32
      %parallel_loop3A_363 = vector.broadcast %parallel_loop3A_362 : i32 to vector<16xi32>
      %parallel_loop3A_364 = arith.andi %parallel_loop3A_354, %parallel_loop3A_363 : vector<16xi32>
      %parallel_loop3A_365 = arith.constant 1065353216 : i32
      %parallel_loop3A_366 = vector.broadcast %parallel_loop3A_365 : i32 to vector<16xi32>
      %parallel_loop3A_367 = arith.ori %parallel_loop3A_364, %parallel_loop3A_366 : vector<16xi32>
      %parallel_loop3A_368 = vector.bitcast %parallel_loop3A_367 : vector<16xi32> to vector<16xf32>
      %parallel_loop3A_369 = arith.constant 1.000000e+00 : f32
      %parallel_loop3A_370 = vector.broadcast %parallel_loop3A_369 : f32 to vector<16xf32>
      %parallel_loop3A_371 = arith.subf %parallel_loop3A_368, %parallel_loop3A_370 : vector<16xf32>
      %parallel_loop3A_372 = arith.constant -0.00615154486 : f32
      %parallel_loop3A_373 = vector.broadcast %parallel_loop3A_372 : f32 to vector<16xf32>
      %parallel_loop3A_374 = arith.mulf %parallel_loop3A_373, %parallel_loop3A_371 : vector<16xf32>
      %parallel_loop3A_375 = arith.constant 0.034850128 : f32
      %parallel_loop3A_376 = vector.broadcast %parallel_loop3A_375 : f32 to vector<16xf32>
      %parallel_loop3A_377 = arith.addf %parallel_loop3A_374, %parallel_loop3A_376 : vector<16xf32>
      %parallel_loop3A_378 = arith.mulf %parallel_loop3A_377, %parallel_loop3A_371 : vector<16xf32>
      %parallel_loop3A_379 = arith.constant -0.093252942 : f32
      %parallel_loop3A_380 = vector.broadcast %parallel_loop3A_379 : f32 to vector<16xf32>
      %parallel_loop3A_381 = arith.addf %parallel_loop3A_378, %parallel_loop3A_380 : vector<16xf32>
      %parallel_loop3A_382 = arith.mulf %parallel_loop3A_381, %parallel_loop3A_371 : vector<16xf32>
      %parallel_loop3A_383 = arith.constant 0.165823758 : f32
      %parallel_loop3A_384 = vector.broadcast %parallel_loop3A_383 : f32 to vector<16xf32>
      %parallel_loop3A_385 = arith.addf %parallel_loop3A_382, %parallel_loop3A_384 : vector<16xf32>
      %parallel_loop3A_386 = arith.mulf %parallel_loop3A_385, %parallel_loop3A_371 : vector<16xf32>
      %parallel_loop3A_387 = arith.constant -0.239826784 : f32
      %parallel_loop3A_388 = vector.broadcast %parallel_loop3A_387 : f32 to vector<16xf32>
      %parallel_loop3A_389 = arith.addf %parallel_loop3A_386, %parallel_loop3A_388 : vector<16xf32>
      %parallel_loop3A_390 = arith.mulf %parallel_loop3A_389, %parallel_loop3A_371 : vector<16xf32>
      %parallel_loop3A_391 = arith.constant 0.33154884 : f32
      %parallel_loop3A_392 = vector.broadcast %parallel_loop3A_391 : f32 to vector<16xf32>
      %parallel_loop3A_393 = arith.addf %parallel_loop3A_390, %parallel_loop3A_392 : vector<16xf32>
      %parallel_loop3A_394 = arith.mulf %parallel_loop3A_393, %parallel_loop3A_371 : vector<16xf32>
      %parallel_loop3A_395 = arith.constant -0.499838591 : f32
      %parallel_loop3A_396 = vector.broadcast %parallel_loop3A_395 : f32 to vector<16xf32>
      %parallel_loop3A_397 = arith.addf %parallel_loop3A_394, %parallel_loop3A_396 : vector<16xf32>
      %parallel_loop3A_398 = arith.mulf %parallel_loop3A_397, %parallel_loop3A_371 : vector<16xf32>
      %parallel_loop3A_399 = arith.constant 0.999994277 : f32
      %parallel_loop3A_400 = vector.broadcast %parallel_loop3A_399 : f32 to vector<16xf32>
      %parallel_loop3A_401 = arith.addf %parallel_loop3A_398, %parallel_loop3A_400 : vector<16xf32>
      %parallel_loop3A_402 = arith.mulf %parallel_loop3A_401, %parallel_loop3A_371 : vector<16xf32>
      %parallel_loop3A_403 = arith.constant 3.38009229E-8 : f32
      %parallel_loop3A_404 = vector.broadcast %parallel_loop3A_403 : f32 to vector<16xf32>
      %parallel_loop3A_405 = arith.addf %parallel_loop3A_402, %parallel_loop3A_404 : vector<16xf32>
      %parallel_loop3A_406 = arith.constant 0.693147182 : f32
      %parallel_loop3A_407 = vector.broadcast %parallel_loop3A_406 : f32 to vector<16xf32>
      %parallel_loop3A_408 = arith.mulf %parallel_loop3A_361, %parallel_loop3A_407 : vector<16xf32>
      %parallel_loop3A_409 = arith.addf %parallel_loop3A_408, %parallel_loop3A_405 : vector<16xf32>
      %parallel_loop3A_410 = arith.addf %parallel_loop3A_308, %parallel_loop3A_409 : vector<16xf32>
      scf.yield %parallel_loop3A_410 : vector<16xf32>
    } {sc.loop_unroll_factor = 2 : i64, sc.parallel_access}
    %broadcast_in_dim3A_292 = arith.constant 0.000000e+00 : f32
    %broadcast_in_dim3A_293 = vector.broadcast %broadcast_in_dim3A_292 : f32 to vector<16xf32>
    %reduce_sum3A = arith.constant true
    %reduce_sum3A_294 = vector.broadcast %reduce_sum3A : i1 to vector<16xi1>
    %reduce_sum3A_295 = tpu.scan <sum>, %parallel_loop3A_291 masked %reduce_sum3A_294 : vector<16xf32>, vector<16xi1> -> vector<16xf32>
    %reduce_sum3A_296 = vector.extract %reduce_sum3A_295[15] : f32 from vector<16xf32>
    %add3A_297 = vector.broadcast %reduce_sum3A_296 : f32 to vector<16xf32>
    %add3A_298 = arith.addf %broadcast_in_dim3A_293, %add3A_297 : vector<16xf32>
    %swap3A_299 = arith.constant 0 : index
    %swap3A_300 = tpu.vector_load %arg10[%swap3A_299] {strides = array<i32>} : memref<16xf32, #tpu.memory_space<vmem>>, vector<16xf32>,
    tpu.vector_store %arg10[%swap3A_299], %add3A_298 {strides = array<i32>} : memref<16xf32, #tpu.memory_space<vmem>>, vector<16xf32>,
    "tpu.region"() ({
      %run_scoped3A = tpu.sem_alloc : memref<!tpu.dma_semaphore, #tpu.memory_space<semaphore_mem>>
      %dma_start3A_307 = arith.constant 0 : i32
      %dma_start3A_308 = tpu.memref_slice %arg6[%arg0, %arg1, %dma_start3A_307] : memref<2x24x16xf32, #tpu.memory_space<hbm>> -> memref<1x1x16xf32, #tpu.memory_space<hbm>>
      %dma_start3A_309 = tpu.memref_squeeze %dma_start3A_308 : memref<1x1x16xf32, #tpu.memory_space<hbm>> -> memref<16xf32, #tpu.memory_space<hbm>>
      %dma_start3A_310 = arith.constant 0 : i32
      %dma_start3A_311 = tpu.memref_slice %arg6[%arg0, %arg1, %dma_start3A_310] : memref<2x24x16xf32, #tpu.memory_space<hbm>> -> memref<1x1x16xf32, #tpu.memory_space<hbm>>
      %dma_start3A_312 = tpu.memref_squeeze %dma_start3A_311 : memref<1x1x16xf32, #tpu.memory_space<hbm>> -> memref<16xf32, #tpu.memory_space<hbm>>
      tpu.enqueue_dma source(%arg10 : memref<16xf32, #tpu.memory_space<vmem>>) target(%dma_start3A_312 : memref<16xf32, #tpu.memory_space<hbm>>) target_semaphore(%run_scoped3A : memref<!tpu.dma_semaphore, #tpu.memory_space<semaphore_mem>>)
      %dma_wait3A_313 = arith.constant 0 : i32
      %dma_wait3A_314 = tpu.memref_slice %arg6[%arg0, %arg1, %dma_wait3A_313] : memref<2x24x16xf32, #tpu.memory_space<hbm>> -> memref<1x1x16xf32, #tpu.memory_space<hbm>>
      %dma_wait3A_315 = tpu.memref_squeeze %dma_wait3A_314 : memref<1x1x16xf32, #tpu.memory_space<hbm>> -> memref<16xf32, #tpu.memory_space<hbm>>
      %dma_wait3A_316 = arith.constant 0 : i32
      %dma_wait3A_317 = tpu.memref_slice %arg6[%arg0, %arg1, %dma_wait3A_316] : memref<2x24x16xf32, #tpu.memory_space<hbm>> -> memref<1x1x16xf32, #tpu.memory_space<hbm>>
      %dma_wait3A_318 = tpu.memref_squeeze %dma_wait3A_317 : memref<1x1x16xf32, #tpu.memory_space<hbm>> -> memref<16xf32, #tpu.memory_space<hbm>>
      tpu.wait_dma2 semaphore(%run_scoped3A : memref<!tpu.dma_semaphore, #tpu.memory_space<semaphore_mem>>) src(%arg10 : memref<16xf32, #tpu.memory_space<vmem>>) dst(%dma_wait3A_318 : memref<16xf32, #tpu.memory_space<hbm>>)
      tpu.yield
    }) : () -> ()
    %barrier3A = arith.constant 0 : index
    tpu.barrier barrier_id(%barrier3A)
    %convert_element_type3A_301 = arith.extui %and3A_9 : i1 to i32
    %cond3A_302 = arith.constant 0 : i32
    %cond3A_303 = arith.cmpi ne, %convert_element_type3A_301, %cond3A_302 : i32
    scf.if %cond3A_303 {
      %get3A_307 = arith.constant 0 : index
      %get3A_308 = tpu.vector_load %arg7[%get3A_307] {strides = array<i32>} : memref<1040xi32, #tpu.memory_space<vmem>>, vector<16xi32>,
      %xor3A = arith.constant 1540483477 : i32
      %xor3A_309 = vector.broadcast %xor3A : i32 to vector<16xi32>
      %xor3A_310 = arith.xori %get3A_308, %xor3A_309 : vector<16xi32>
      %swap3A_311 = arith.constant 0 : index
      %swap3A_312 = tpu.vector_load %arg13[%swap3A_311] {strides = array<i32>} : memref<16xi32, #tpu.memory_space<vmem>>, vector<16xi32>,
      tpu.vector_store %arg13[%swap3A_311], %xor3A_310 {strides = array<i32>} : memref<16xi32, #tpu.memory_space<vmem>>, vector<16xi32>,
      %get3A_313 = arith.constant 0 : index
      %get3A_314 = tpu.vector_load %arg13[%get3A_313] {strides = array<i32>} : memref<16xi32, #tpu.memory_space<vmem>>, vector<16xi32>,
      %bitcast3A_315 = vector.bitcast %get3A_314 : vector<16xi32> to vector<16xf32>
      %swap3A_316 = arith.constant 0 : index
      %swap3A_317 = tpu.vector_load %arg10[%swap3A_316] {strides = array<i32>} : memref<16xf32, #tpu.memory_space<vmem>>, vector<16xf32>,
      tpu.vector_store %arg10[%swap3A_316], %bitcast3A_315 {strides = array<i32>} : memref<16xf32, #tpu.memory_space<vmem>>, vector<16xf32>,
      %run_scoped3A = arith.constant 1 : i32
      %run_scoped3A_318 = arith.constant 16 : i32
      "tpu.region"() ({
        %run_scoped3A_319 = tpu.sem_alloc : memref<!tpu.dma_semaphore, #tpu.memory_space<semaphore_mem>>
        %dma_start3A_320 = arith.constant 0 : i32
        %dma_start3A_321 = tpu.memref_slice %arg6[%run_scoped3A, %run_scoped3A_318, %dma_start3A_320] : memref<2x24x16xf32, #tpu.memory_space<hbm>> -> memref<1x1x16xf32, #tpu.memory_space<hbm>>
        %dma_start3A_322 = tpu.memref_squeeze %dma_start3A_321 : memref<1x1x16xf32, #tpu.memory_space<hbm>> -> memref<16xf32, #tpu.memory_space<hbm>>
        %dma_start3A_323 = arith.constant 0 : i32
        %dma_start3A_324 = tpu.memref_slice %arg6[%run_scoped3A, %run_scoped3A_318, %dma_start3A_323] : memref<2x24x16xf32, #tpu.memory_space<hbm>> -> memref<1x1x16xf32, #tpu.memory_space<hbm>>
        %dma_start3A_325 = tpu.memref_squeeze %dma_start3A_324 : memref<1x1x16xf32, #tpu.memory_space<hbm>> -> memref<16xf32, #tpu.memory_space<hbm>>
        tpu.enqueue_dma source(%arg10 : memref<16xf32, #tpu.memory_space<vmem>>) target(%dma_start3A_325 : memref<16xf32, #tpu.memory_space<hbm>>) target_semaphore(%run_scoped3A_319 : memref<!tpu.dma_semaphore, #tpu.memory_space<semaphore_mem>>)
        %dma_wait3A_326 = arith.constant 0 : i32
        %dma_wait3A_327 = tpu.memref_slice %arg6[%run_scoped3A, %run_scoped3A_318, %dma_wait3A_326] : memref<2x24x16xf32, #tpu.memory_space<hbm>> -> memref<1x1x16xf32, #tpu.memory_space<hbm>>
        %dma_wait3A_328 = tpu.memref_squeeze %dma_wait3A_327 : memref<1x1x16xf32, #tpu.memory_space<hbm>> -> memref<16xf32, #tpu.memory_space<hbm>>
        %dma_wait3A_329 = arith.constant 0 : i32
        %dma_wait3A_330 = tpu.memref_slice %arg6[%run_scoped3A, %run_scoped3A_318, %dma_wait3A_329] : memref<2x24x16xf32, #tpu.memory_space<hbm>> -> memref<1x1x16xf32, #tpu.memory_space<hbm>>
        %dma_wait3A_331 = tpu.memref_squeeze %dma_wait3A_330 : memref<1x1x16xf32, #tpu.memory_space<hbm>> -> memref<16xf32, #tpu.memory_space<hbm>>
        tpu.wait_dma2 semaphore(%run_scoped3A_319 : memref<!tpu.dma_semaphore, #tpu.memory_space<semaphore_mem>>) src(%arg10 : memref<16xf32, #tpu.memory_space<vmem>>) dst(%dma_wait3A_331 : memref<16xf32, #tpu.memory_space<hbm>>)
        tpu.yield
      }) : () -> ()
    } else {
    }
    %convert_element_type3A_304 = arith.extui %and3A : i1 to i32
    %cond3A_305 = arith.constant 0 : i32
    %cond3A_306 = arith.cmpi ne, %convert_element_type3A_304, %cond3A_305 : i32
    scf.if %cond3A_306 {
      %get3A_307 = arith.constant 0 : index
      %get3A_308 = tpu.vector_load %arg12[%get3A_307] {strides = array<i32>} : memref<16xi32, #tpu.memory_space<vmem>>, vector<16xi32>,
      %xor3A = arith.constant 1540483477 : i32
      %xor3A_309 = vector.broadcast %xor3A : i32 to vector<16xi32>
      %xor3A_310 = arith.xori %get3A_308, %xor3A_309 : vector<16xi32>
      %while3A = arith.constant false
      %while3A_311 = scf.while (%while3A_707 = %while3A) : (i1) -> i1 {
        %not3A_708 = arith.constant true
        %not3A_709 = arith.xori %while3A_707, %not3A_708 : i1
        scf.condition(%not3A_709) %while3A_707 : i1
      } do {
      ^bb0(%while3A_707: i1):
        "tpu.region"() ({
          %run_scoped3A = tpu.sem_alloc : memref<!tpu.dma_semaphore, #tpu.memory_space<semaphore_mem>>
          tpu.enqueue_dma source(%arg6 : memref<2x24x16xf32, #tpu.memory_space<hbm>>) target(%arg14 : memref<2x24x16xf32, #tpu.memory_space<vmem>>) target_semaphore(%run_scoped3A : memref<!tpu.dma_semaphore, #tpu.memory_space<semaphore_mem>>)
          tpu.wait_dma2 semaphore(%run_scoped3A : memref<!tpu.dma_semaphore, #tpu.memory_space<semaphore_mem>>) src(%arg6 : memref<2x24x16xf32, #tpu.memory_space<hbm>>) dst(%arg14 : memref<2x24x16xf32, #tpu.memory_space<vmem>>)
          tpu.yield
        }) : () -> ()
        %get3A_708 = arith.constant 1 : i32
        %get3A_709 = arith.constant 16 : i32
        %get3A_710 = arith.index_cast %get3A_708 : i32 to index
        %get3A_711 = arith.index_cast %get3A_709 : i32 to index
        %get3A_712 = arith.constant 0 : index
        %get3A_713 = tpu.vector_load %arg14[%get3A_710, %get3A_711, %get3A_712] {strides = array<i32>} : memref<2x24x16xf32, #tpu.memory_space<vmem>>, vector<16xf32>,
        %bitcast3A_714 = vector.bitcast %get3A_713 : vector<16xf32> to vector<16xi32>
        %eq3A_715 = arith.cmpi eq, %bitcast3A_714, %xor3A_310 : vector<16xi32>
        %reduce_and3A = arith.constant 1.000000e+00 : f32
        %reduce_and3A_716 = arith.constant 0.000000e+00 : f32
        %reduce_and3A_717 = vector.broadcast %reduce_and3A : f32 to vector<16xf32>
        %reduce_and3A_718 = vector.broadcast %reduce_and3A_716 : f32 to vector<16xf32>
        %reduce_and3A_719 = arith.select %eq3A_715, %reduce_and3A_717, %reduce_and3A_718 : vector<16xi1>, vector<16xf32>
        %reduce_and3A_720 = arith.constant true
        %reduce_and3A_721 = vector.broadcast %reduce_and3A_720 : i1 to vector<16xi1>
        %reduce_and3A_722 = tpu.scan <min>, %reduce_and3A_719 masked %reduce_and3A_721 : vector<16xf32>, vector<16xi1> -> vector<16xf32>
        %reduce_and3A_723 = vector.extract %reduce_and3A_722[15] : f32 from vector<16xf32>
        %reduce_and3A_724 = arith.constant 0.000000e+00 : f32
        %reduce_and3A_725 = arith.cmpf ogt, %reduce_and3A_723, %reduce_and3A_724 : f32
        scf.yield %reduce_and3A_725 : i1
      }
      %broadcast_in_dim3A_312 = arith.constant 0.000000e+00 : f32
      %broadcast_in_dim3A_313 = vector.broadcast %broadcast_in_dim3A_312 : f32 to vector<16xf32>
      %get3A_314 = arith.constant 0 : i32
      %get3A_315 = arith.constant 0 : i32
      %get3A_316 = arith.index_cast %get3A_314 : i32 to index
      %get3A_317 = arith.index_cast %get3A_315 : i32 to index
      %get3A_318 = arith.constant 0 : index
      %get3A_319 = tpu.vector_load %arg14[%get3A_316, %get3A_317, %get3A_318] {strides = array<i32>} : memref<2x24x16xf32, #tpu.memory_space<vmem>>, vector<16xf32>,
      %get3A_320 = arith.constant 1 : i32
      %get3A_321 = arith.constant 0 : i32
      %get3A_322 = arith.index_cast %get3A_320 : i32 to index
      %get3A_323 = arith.index_cast %get3A_321 : i32 to index
      %get3A_324 = arith.constant 0 : index
      %get3A_325 = tpu.vector_load %arg14[%get3A_322, %get3A_323, %get3A_324] {strides = array<i32>} : memref<2x24x16xf32, #tpu.memory_space<vmem>>, vector<16xf32>,
      %add3A_326 = arith.addf %get3A_319, %get3A_325 : vector<16xf32>
      %eq3A_327 = arith.constant 0 : i32
      %eq3A_328 = vector.broadcast %eq3A_327 : i32 to vector<16xi32>
      %eq3A_329 = arith.cmpi eq, %iota3A, %eq3A_328 : vector<16xi32>
      %jit3A_330 = arith.constant 0.000000e+00 : f32
      %broadcast_in_dim3A_331 = vector.broadcast %jit3A_330 : f32 to vector<16xf32>
      %select_n3A_332 = arith.select %eq3A_329, %add3A_326, %broadcast_in_dim3A_331 : vector<16xi1>, vector<16xf32>
      %add3A_333 = arith.addf %broadcast_in_dim3A_313, %select_n3A_332 : vector<16xf32>
      %get3A_334 = arith.constant 0 : i32
      %get3A_335 = arith.constant 1 : i32
      %get3A_336 = arith.index_cast %get3A_334 : i32 to index
      %get3A_337 = arith.index_cast %get3A_335 : i32 to index
      %get3A_338 = arith.constant 0 : index
      %get3A_339 = tpu.vector_load %arg14[%get3A_336, %get3A_337, %get3A_338] {strides = array<i32>} : memref<2x24x16xf32, #tpu.memory_space<vmem>>, vector<16xf32>,
      %get3A_340 = arith.constant 1 : i32
      %get3A_341 = arith.constant 1 : i32
      %get3A_342 = arith.index_cast %get3A_340 : i32 to index
      %get3A_343 = arith.index_cast %get3A_341 : i32 to index
      %get3A_344 = arith.constant 0 : index
      %get3A_345 = tpu.vector_load %arg14[%get3A_342, %get3A_343, %get3A_344] {strides = array<i32>} : memref<2x24x16xf32, #tpu.memory_space<vmem>>, vector<16xf32>,
      %add3A_346 = arith.addf %get3A_339, %get3A_345 : vector<16xf32>
      %eq3A_347 = arith.constant 1 : i32
      %eq3A_348 = vector.broadcast %eq3A_347 : i32 to vector<16xi32>
      %eq3A_349 = arith.cmpi eq, %iota3A, %eq3A_348 : vector<16xi32>
      %jit3A_350 = arith.constant 0.000000e+00 : f32
      %broadcast_in_dim3A_351 = vector.broadcast %jit3A_350 : f32 to vector<16xf32>
      %select_n3A_352 = arith.select %eq3A_349, %add3A_346, %broadcast_in_dim3A_351 : vector<16xi1>, vector<16xf32>
      %add3A_353 = arith.addf %add3A_333, %select_n3A_352 : vector<16xf32>
      %get3A_354 = arith.constant 0 : i32
      %get3A_355 = arith.constant 2 : i32
      %get3A_356 = arith.index_cast %get3A_354 : i32 to index
      %get3A_357 = arith.index_cast %get3A_355 : i32 to index
      %get3A_358 = arith.constant 0 : index
      %get3A_359 = tpu.vector_load %arg14[%get3A_356, %get3A_357, %get3A_358] {strides = array<i32>} : memref<2x24x16xf32, #tpu.memory_space<vmem>>, vector<16xf32>,
      %get3A_360 = arith.constant 1 : i32
      %get3A_361 = arith.constant 2 : i32
      %get3A_362 = arith.index_cast %get3A_360 : i32 to index
      %get3A_363 = arith.index_cast %get3A_361 : i32 to index
      %get3A_364 = arith.constant 0 : index
      %get3A_365 = tpu.vector_load %arg14[%get3A_362, %get3A_363, %get3A_364] {strides = array<i32>} : memref<2x24x16xf32, #tpu.memory_space<vmem>>, vector<16xf32>,
      %add3A_366 = arith.addf %get3A_359, %get3A_365 : vector<16xf32>
      %eq3A_367 = arith.constant 2 : i32
      %eq3A_368 = vector.broadcast %eq3A_367 : i32 to vector<16xi32>
      %eq3A_369 = arith.cmpi eq, %iota3A, %eq3A_368 : vector<16xi32>
      %jit3A_370 = arith.constant 0.000000e+00 : f32
      %broadcast_in_dim3A_371 = vector.broadcast %jit3A_370 : f32 to vector<16xf32>
      %select_n3A_372 = arith.select %eq3A_369, %add3A_366, %broadcast_in_dim3A_371 : vector<16xi1>, vector<16xf32>
      %add3A_373 = arith.addf %add3A_353, %select_n3A_372 : vector<16xf32>
      %get3A_374 = arith.constant 0 : i32
      %get3A_375 = arith.constant 3 : i32
      %get3A_376 = arith.index_cast %get3A_374 : i32 to index
      %get3A_377 = arith.index_cast %get3A_375 : i32 to index
      %get3A_378 = arith.constant 0 : index
      %get3A_379 = tpu.vector_load %arg14[%get3A_376, %get3A_377, %get3A_378] {strides = array<i32>} : memref<2x24x16xf32, #tpu.memory_space<vmem>>, vector<16xf32>,
      %get3A_380 = arith.constant 1 : i32
      %get3A_381 = arith.constant 3 : i32
      %get3A_382 = arith.index_cast %get3A_380 : i32 to index
      %get3A_383 = arith.index_cast %get3A_381 : i32 to index
      %get3A_384 = arith.constant 0 : index
      %get3A_385 = tpu.vector_load %arg14[%get3A_382, %get3A_383, %get3A_384] {strides = array<i32>} : memref<2x24x16xf32, #tpu.memory_space<vmem>>, vector<16xf32>,
      %add3A_386 = arith.addf %get3A_379, %get3A_385 : vector<16xf32>
      %eq3A_387 = arith.constant 3 : i32
      %eq3A_388 = vector.broadcast %eq3A_387 : i32 to vector<16xi32>
      %eq3A_389 = arith.cmpi eq, %iota3A, %eq3A_388 : vector<16xi32>
      %jit3A_390 = arith.constant 0.000000e+00 : f32
      %broadcast_in_dim3A_391 = vector.broadcast %jit3A_390 : f32 to vector<16xf32>
      %select_n3A_392 = arith.select %eq3A_389, %add3A_386, %broadcast_in_dim3A_391 : vector<16xi1>, vector<16xf32>
      %add3A_393 = arith.addf %add3A_373, %select_n3A_392 : vector<16xf32>
      %get3A_394 = arith.constant 0 : i32
      %get3A_395 = arith.constant 4 : i32
      %get3A_396 = arith.index_cast %get3A_394 : i32 to index
      %get3A_397 = arith.index_cast %get3A_395 : i32 to index
      %get3A_398 = arith.constant 0 : index
      %get3A_399 = tpu.vector_load %arg14[%get3A_396, %get3A_397, %get3A_398] {strides = array<i32>} : memref<2x24x16xf32, #tpu.memory_space<vmem>>, vector<16xf32>,
      %get3A_400 = arith.constant 1 : i32
      %get3A_401 = arith.constant 4 : i32
      %get3A_402 = arith.index_cast %get3A_400 : i32 to index
      %get3A_403 = arith.index_cast %get3A_401 : i32 to index
      %get3A_404 = arith.constant 0 : index
      %get3A_405 = tpu.vector_load %arg14[%get3A_402, %get3A_403, %get3A_404] {strides = array<i32>} : memref<2x24x16xf32, #tpu.memory_space<vmem>>, vector<16xf32>,
      %add3A_406 = arith.addf %get3A_399, %get3A_405 : vector<16xf32>
      %eq3A_407 = arith.constant 4 : i32
      %eq3A_408 = vector.broadcast %eq3A_407 : i32 to vector<16xi32>
      %eq3A_409 = arith.cmpi eq, %iota3A, %eq3A_408 : vector<16xi32>
      %jit3A_410 = arith.constant 0.000000e+00 : f32
      %broadcast_in_dim3A_411 = vector.broadcast %jit3A_410 : f32 to vector<16xf32>
      %select_n3A_412 = arith.select %eq3A_409, %add3A_406, %broadcast_in_dim3A_411 : vector<16xi1>, vector<16xf32>
      %add3A_413 = arith.addf %add3A_393, %select_n3A_412 : vector<16xf32>
      %get3A_414 = arith.constant 0 : i32
      %get3A_415 = arith.constant 5 : i32
      %get3A_416 = arith.index_cast %get3A_414 : i32 to index
      %get3A_417 = arith.index_cast %get3A_415 : i32 to index
      %get3A_418 = arith.constant 0 : index
      %get3A_419 = tpu.vector_load %arg14[%get3A_416, %get3A_417, %get3A_418] {strides = array<i32>} : memref<2x24x16xf32, #tpu.memory_space<vmem>>, vector<16xf32>,
      %get3A_420 = arith.constant 1 : i32
      %get3A_421 = arith.constant 5 : i32
      %get3A_422 = arith.index_cast %get3A_420 : i32 to index
      %get3A_423 = arith.index_cast %get3A_421 : i32 to index
      %get3A_424 = arith.constant 0 : index
      %get3A_425 = tpu.vector_load %arg14[%get3A_422, %get3A_423, %get3A_424] {strides = array<i32>} : memref<2x24x16xf32, #tpu.memory_space<vmem>>, vector<16xf32>,
      %add3A_426 = arith.addf %get3A_419, %get3A_425 : vector<16xf32>
      %eq3A_427 = arith.constant 5 : i32
      %eq3A_428 = vector.broadcast %eq3A_427 : i32 to vector<16xi32>
      %eq3A_429 = arith.cmpi eq, %iota3A, %eq3A_428 : vector<16xi32>
      %jit3A_430 = arith.constant 0.000000e+00 : f32
      %broadcast_in_dim3A_431 = vector.broadcast %jit3A_430 : f32 to vector<16xf32>
      %select_n3A_432 = arith.select %eq3A_429, %add3A_426, %broadcast_in_dim3A_431 : vector<16xi1>, vector<16xf32>
      %add3A_433 = arith.addf %add3A_413, %select_n3A_432 : vector<16xf32>
      %get3A_434 = arith.constant 0 : i32
      %get3A_435 = arith.constant 6 : i32
      %get3A_436 = arith.index_cast %get3A_434 : i32 to index
      %get3A_437 = arith.index_cast %get3A_435 : i32 to index
      %get3A_438 = arith.constant 0 : index
      %get3A_439 = tpu.vector_load %arg14[%get3A_436, %get3A_437, %get3A_438] {strides = array<i32>} : memref<2x24x16xf32, #tpu.memory_space<vmem>>, vector<16xf32>,
      %get3A_440 = arith.constant 1 : i32
      %get3A_441 = arith.constant 6 : i32
      %get3A_442 = arith.index_cast %get3A_440 : i32 to index
      %get3A_443 = arith.index_cast %get3A_441 : i32 to index
      %get3A_444 = arith.constant 0 : index
      %get3A_445 = tpu.vector_load %arg14[%get3A_442, %get3A_443, %get3A_444] {strides = array<i32>} : memref<2x24x16xf32, #tpu.memory_space<vmem>>, vector<16xf32>,
      %add3A_446 = arith.addf %get3A_439, %get3A_445 : vector<16xf32>
      %eq3A_447 = arith.constant 6 : i32
      %eq3A_448 = vector.broadcast %eq3A_447 : i32 to vector<16xi32>
      %eq3A_449 = arith.cmpi eq, %iota3A, %eq3A_448 : vector<16xi32>
      %jit3A_450 = arith.constant 0.000000e+00 : f32
      %broadcast_in_dim3A_451 = vector.broadcast %jit3A_450 : f32 to vector<16xf32>
      %select_n3A_452 = arith.select %eq3A_449, %add3A_446, %broadcast_in_dim3A_451 : vector<16xi1>, vector<16xf32>
      %add3A_453 = arith.addf %add3A_433, %select_n3A_452 : vector<16xf32>
      %get3A_454 = arith.constant 0 : i32
      %get3A_455 = arith.constant 7 : i32
      %get3A_456 = arith.index_cast %get3A_454 : i32 to index
      %get3A_457 = arith.index_cast %get3A_455 : i32 to index
      %get3A_458 = arith.constant 0 : index
      %get3A_459 = tpu.vector_load %arg14[%get3A_456, %get3A_457, %get3A_458] {strides = array<i32>} : memref<2x24x16xf32, #tpu.memory_space<vmem>>, vector<16xf32>,
      %get3A_460 = arith.constant 1 : i32
      %get3A_461 = arith.constant 7 : i32
      %get3A_462 = arith.index_cast %get3A_460 : i32 to index
      %get3A_463 = arith.index_cast %get3A_461 : i32 to index
      %get3A_464 = arith.constant 0 : index
      %get3A_465 = tpu.vector_load %arg14[%get3A_462, %get3A_463, %get3A_464] {strides = array<i32>} : memref<2x24x16xf32, #tpu.memory_space<vmem>>, vector<16xf32>,
      %add3A_466 = arith.addf %get3A_459, %get3A_465 : vector<16xf32>
      %eq3A_467 = arith.constant 7 : i32
      %eq3A_468 = vector.broadcast %eq3A_467 : i32 to vector<16xi32>
      %eq3A_469 = arith.cmpi eq, %iota3A, %eq3A_468 : vector<16xi32>
      %jit3A_470 = arith.constant 0.000000e+00 : f32
      %broadcast_in_dim3A_471 = vector.broadcast %jit3A_470 : f32 to vector<16xf32>
      %select_n3A_472 = arith.select %eq3A_469, %add3A_466, %broadcast_in_dim3A_471 : vector<16xi1>, vector<16xf32>
      %add3A_473 = arith.addf %add3A_453, %select_n3A_472 : vector<16xf32>
      %get3A_474 = arith.constant 0 : i32
      %get3A_475 = arith.constant 8 : i32
      %get3A_476 = arith.index_cast %get3A_474 : i32 to index
      %get3A_477 = arith.index_cast %get3A_475 : i32 to index
      %get3A_478 = arith.constant 0 : index
      %get3A_479 = tpu.vector_load %arg14[%get3A_476, %get3A_477, %get3A_478] {strides = array<i32>} : memref<2x24x16xf32, #tpu.memory_space<vmem>>, vector<16xf32>,
      %get3A_480 = arith.constant 1 : i32
      %get3A_481 = arith.constant 8 : i32
      %get3A_482 = arith.index_cast %get3A_480 : i32 to index
      %get3A_483 = arith.index_cast %get3A_481 : i32 to index
      %get3A_484 = arith.constant 0 : index
      %get3A_485 = tpu.vector_load %arg14[%get3A_482, %get3A_483, %get3A_484] {strides = array<i32>} : memref<2x24x16xf32, #tpu.memory_space<vmem>>, vector<16xf32>,
      %add3A_486 = arith.addf %get3A_479, %get3A_485 : vector<16xf32>
      %eq3A_487 = arith.constant 8 : i32
      %eq3A_488 = vector.broadcast %eq3A_487 : i32 to vector<16xi32>
      %eq3A_489 = arith.cmpi eq, %iota3A, %eq3A_488 : vector<16xi32>
      %jit3A_490 = arith.constant 0.000000e+00 : f32
      %broadcast_in_dim3A_491 = vector.broadcast %jit3A_490 : f32 to vector<16xf32>
      %select_n3A_492 = arith.select %eq3A_489, %add3A_486, %broadcast_in_dim3A_491 : vector<16xi1>, vector<16xf32>
      %add3A_493 = arith.addf %add3A_473, %select_n3A_492 : vector<16xf32>
      %get3A_494 = arith.constant 0 : i32
      %get3A_495 = arith.constant 9 : i32
      %get3A_496 = arith.index_cast %get3A_494 : i32 to index
      %get3A_497 = arith.index_cast %get3A_495 : i32 to index
      %get3A_498 = arith.constant 0 : index
      %get3A_499 = tpu.vector_load %arg14[%get3A_496, %get3A_497, %get3A_498] {strides = array<i32>} : memref<2x24x16xf32, #tpu.memory_space<vmem>>, vector<16xf32>,
      %get3A_500 = arith.constant 1 : i32
      %get3A_501 = arith.constant 9 : i32
      %get3A_502 = arith.index_cast %get3A_500 : i32 to index
      %get3A_503 = arith.index_cast %get3A_501 : i32 to index
      %get3A_504 = arith.constant 0 : index
      %get3A_505 = tpu.vector_load %arg14[%get3A_502, %get3A_503, %get3A_504] {strides = array<i32>} : memref<2x24x16xf32, #tpu.memory_space<vmem>>, vector<16xf32>,
      %add3A_506 = arith.addf %get3A_499, %get3A_505 : vector<16xf32>
      %eq3A_507 = arith.constant 9 : i32
      %eq3A_508 = vector.broadcast %eq3A_507 : i32 to vector<16xi32>
      %eq3A_509 = arith.cmpi eq, %iota3A, %eq3A_508 : vector<16xi32>
      %jit3A_510 = arith.constant 0.000000e+00 : f32
      %broadcast_in_dim3A_511 = vector.broadcast %jit3A_510 : f32 to vector<16xf32>
      %select_n3A_512 = arith.select %eq3A_509, %add3A_506, %broadcast_in_dim3A_511 : vector<16xi1>, vector<16xf32>
      %add3A_513 = arith.addf %add3A_493, %select_n3A_512 : vector<16xf32>
      %get3A_514 = arith.constant 0 : i32
      %get3A_515 = arith.constant 10 : i32
      %get3A_516 = arith.index_cast %get3A_514 : i32 to index
      %get3A_517 = arith.index_cast %get3A_515 : i32 to index
      %get3A_518 = arith.constant 0 : index
      %get3A_519 = tpu.vector_load %arg14[%get3A_516, %get3A_517, %get3A_518] {strides = array<i32>} : memref<2x24x16xf32, #tpu.memory_space<vmem>>, vector<16xf32>,
      %get3A_520 = arith.constant 1 : i32
      %get3A_521 = arith.constant 10 : i32
      %get3A_522 = arith.index_cast %get3A_520 : i32 to index
      %get3A_523 = arith.index_cast %get3A_521 : i32 to index
      %get3A_524 = arith.constant 0 : index
      %get3A_525 = tpu.vector_load %arg14[%get3A_522, %get3A_523, %get3A_524] {strides = array<i32>} : memref<2x24x16xf32, #tpu.memory_space<vmem>>, vector<16xf32>,
      %add3A_526 = arith.addf %get3A_519, %get3A_525 : vector<16xf32>
      %eq3A_527 = arith.constant 10 : i32
      %eq3A_528 = vector.broadcast %eq3A_527 : i32 to vector<16xi32>
      %eq3A_529 = arith.cmpi eq, %iota3A, %eq3A_528 : vector<16xi32>
      %jit3A_530 = arith.constant 0.000000e+00 : f32
      %broadcast_in_dim3A_531 = vector.broadcast %jit3A_530 : f32 to vector<16xf32>
      %select_n3A_532 = arith.select %eq3A_529, %add3A_526, %broadcast_in_dim3A_531 : vector<16xi1>, vector<16xf32>
      %add3A_533 = arith.addf %add3A_513, %select_n3A_532 : vector<16xf32>
      %get3A_534 = arith.constant 0 : i32
      %get3A_535 = arith.constant 11 : i32
      %get3A_536 = arith.index_cast %get3A_534 : i32 to index
      %get3A_537 = arith.index_cast %get3A_535 : i32 to index
      %get3A_538 = arith.constant 0 : index
      %get3A_539 = tpu.vector_load %arg14[%get3A_536, %get3A_537, %get3A_538] {strides = array<i32>} : memref<2x24x16xf32, #tpu.memory_space<vmem>>, vector<16xf32>,
      %get3A_540 = arith.constant 1 : i32
      %get3A_541 = arith.constant 11 : i32
      %get3A_542 = arith.index_cast %get3A_540 : i32 to index
      %get3A_543 = arith.index_cast %get3A_541 : i32 to index
      %get3A_544 = arith.constant 0 : index
      %get3A_545 = tpu.vector_load %arg14[%get3A_542, %get3A_543, %get3A_544] {strides = array<i32>} : memref<2x24x16xf32, #tpu.memory_space<vmem>>, vector<16xf32>,
      %add3A_546 = arith.addf %get3A_539, %get3A_545 : vector<16xf32>
      %eq3A_547 = arith.constant 11 : i32
      %eq3A_548 = vector.broadcast %eq3A_547 : i32 to vector<16xi32>
      %eq3A_549 = arith.cmpi eq, %iota3A, %eq3A_548 : vector<16xi32>
      %jit3A_550 = arith.constant 0.000000e+00 : f32
      %broadcast_in_dim3A_551 = vector.broadcast %jit3A_550 : f32 to vector<16xf32>
      %select_n3A_552 = arith.select %eq3A_549, %add3A_546, %broadcast_in_dim3A_551 : vector<16xi1>, vector<16xf32>
      %add3A_553 = arith.addf %add3A_533, %select_n3A_552 : vector<16xf32>
      %get3A_554 = arith.constant 0 : i32
      %get3A_555 = arith.constant 12 : i32
      %get3A_556 = arith.index_cast %get3A_554 : i32 to index
      %get3A_557 = arith.index_cast %get3A_555 : i32 to index
      %get3A_558 = arith.constant 0 : index
      %get3A_559 = tpu.vector_load %arg14[%get3A_556, %get3A_557, %get3A_558] {strides = array<i32>} : memref<2x24x16xf32, #tpu.memory_space<vmem>>, vector<16xf32>,
      %get3A_560 = arith.constant 1 : i32
      %get3A_561 = arith.constant 12 : i32
      %get3A_562 = arith.index_cast %get3A_560 : i32 to index
      %get3A_563 = arith.index_cast %get3A_561 : i32 to index
      %get3A_564 = arith.constant 0 : index
      %get3A_565 = tpu.vector_load %arg14[%get3A_562, %get3A_563, %get3A_564] {strides = array<i32>} : memref<2x24x16xf32, #tpu.memory_space<vmem>>, vector<16xf32>,
      %add3A_566 = arith.addf %get3A_559, %get3A_565 : vector<16xf32>
      %eq3A_567 = arith.constant 12 : i32
      %eq3A_568 = vector.broadcast %eq3A_567 : i32 to vector<16xi32>
      %eq3A_569 = arith.cmpi eq, %iota3A, %eq3A_568 : vector<16xi32>
      %jit3A_570 = arith.constant 0.000000e+00 : f32
      %broadcast_in_dim3A_571 = vector.broadcast %jit3A_570 : f32 to vector<16xf32>
      %select_n3A_572 = arith.select %eq3A_569, %add3A_566, %broadcast_in_dim3A_571 : vector<16xi1>, vector<16xf32>
      %add3A_573 = arith.addf %add3A_553, %select_n3A_572 : vector<16xf32>
      %get3A_574 = arith.constant 0 : i32
      %get3A_575 = arith.constant 13 : i32
      %get3A_576 = arith.index_cast %get3A_574 : i32 to index
      %get3A_577 = arith.index_cast %get3A_575 : i32 to index
      %get3A_578 = arith.constant 0 : index
      %get3A_579 = tpu.vector_load %arg14[%get3A_576, %get3A_577, %get3A_578] {strides = array<i32>} : memref<2x24x16xf32, #tpu.memory_space<vmem>>, vector<16xf32>,
      %get3A_580 = arith.constant 1 : i32
      %get3A_581 = arith.constant 13 : i32
      %get3A_582 = arith.index_cast %get3A_580 : i32 to index
      %get3A_583 = arith.index_cast %get3A_581 : i32 to index
      %get3A_584 = arith.constant 0 : index
      %get3A_585 = tpu.vector_load %arg14[%get3A_582, %get3A_583, %get3A_584] {strides = array<i32>} : memref<2x24x16xf32, #tpu.memory_space<vmem>>, vector<16xf32>,
      %add3A_586 = arith.addf %get3A_579, %get3A_585 : vector<16xf32>
      %eq3A_587 = arith.constant 13 : i32
      %eq3A_588 = vector.broadcast %eq3A_587 : i32 to vector<16xi32>
      %eq3A_589 = arith.cmpi eq, %iota3A, %eq3A_588 : vector<16xi32>
      %jit3A_590 = arith.constant 0.000000e+00 : f32
      %broadcast_in_dim3A_591 = vector.broadcast %jit3A_590 : f32 to vector<16xf32>
      %select_n3A_592 = arith.select %eq3A_589, %add3A_586, %broadcast_in_dim3A_591 : vector<16xi1>, vector<16xf32>
      %add3A_593 = arith.addf %add3A_573, %select_n3A_592 : vector<16xf32>
      %get3A_594 = arith.constant 0 : i32
      %get3A_595 = arith.constant 14 : i32
      %get3A_596 = arith.index_cast %get3A_594 : i32 to index
      %get3A_597 = arith.index_cast %get3A_595 : i32 to index
      %get3A_598 = arith.constant 0 : index
      %get3A_599 = tpu.vector_load %arg14[%get3A_596, %get3A_597, %get3A_598] {strides = array<i32>} : memref<2x24x16xf32, #tpu.memory_space<vmem>>, vector<16xf32>,
      %get3A_600 = arith.constant 1 : i32
      %get3A_601 = arith.constant 14 : i32
      %get3A_602 = arith.index_cast %get3A_600 : i32 to index
      %get3A_603 = arith.index_cast %get3A_601 : i32 to index
      %get3A_604 = arith.constant 0 : index
      %get3A_605 = tpu.vector_load %arg14[%get3A_602, %get3A_603, %get3A_604] {strides = array<i32>} : memref<2x24x16xf32, #tpu.memory_space<vmem>>, vector<16xf32>,
      %add3A_606 = arith.addf %get3A_599, %get3A_605 : vector<16xf32>
      %eq3A_607 = arith.constant 14 : i32
      %eq3A_608 = vector.broadcast %eq3A_607 : i32 to vector<16xi32>
      %eq3A_609 = arith.cmpi eq, %iota3A, %eq3A_608 : vector<16xi32>
      %jit3A_610 = arith.constant 0.000000e+00 : f32
      %broadcast_in_dim3A_611 = vector.broadcast %jit3A_610 : f32 to vector<16xf32>
      %select_n3A_612 = arith.select %eq3A_609, %add3A_606, %broadcast_in_dim3A_611 : vector<16xi1>, vector<16xf32>
      %add3A_613 = arith.addf %add3A_593, %select_n3A_612 : vector<16xf32>
      %get3A_614 = arith.constant 0 : i32
      %get3A_615 = arith.constant 15 : i32
      %get3A_616 = arith.index_cast %get3A_614 : i32 to index
      %get3A_617 = arith.index_cast %get3A_615 : i32 to index
      %get3A_618 = arith.constant 0 : index
      %get3A_619 = tpu.vector_load %arg14[%get3A_616, %get3A_617, %get3A_618] {strides = array<i32>} : memref<2x24x16xf32, #tpu.memory_space<vmem>>, vector<16xf32>,
      %get3A_620 = arith.constant 1 : i32
      %get3A_621 = arith.constant 15 : i32
      %get3A_622 = arith.index_cast %get3A_620 : i32 to index
      %get3A_623 = arith.index_cast %get3A_621 : i32 to index
      %get3A_624 = arith.constant 0 : index
      %get3A_625 = tpu.vector_load %arg14[%get3A_622, %get3A_623, %get3A_624] {strides = array<i32>} : memref<2x24x16xf32, #tpu.memory_space<vmem>>, vector<16xf32>,
      %add3A_626 = arith.addf %get3A_619, %get3A_625 : vector<16xf32>
      %eq3A_627 = arith.constant 15 : i32
      %eq3A_628 = vector.broadcast %eq3A_627 : i32 to vector<16xi32>
      %eq3A_629 = arith.cmpi eq, %iota3A, %eq3A_628 : vector<16xi32>
      %jit3A_630 = arith.constant 0.000000e+00 : f32
      %broadcast_in_dim3A_631 = vector.broadcast %jit3A_630 : f32 to vector<16xf32>
      %select_n3A_632 = arith.select %eq3A_629, %add3A_626, %broadcast_in_dim3A_631 : vector<16xi1>, vector<16xf32>
      %add3A_633 = arith.addf %add3A_613, %select_n3A_632 : vector<16xf32>
      %reduce_max3A_634 = arith.constant true
      %reduce_max3A_635 = vector.broadcast %reduce_max3A_634 : i1 to vector<16xi1>
      %reduce_max3A_636 = tpu.scan <max>, %add3A_633 masked %reduce_max3A_635 : vector<16xf32>, vector<16xi1> -> vector<16xf32>
      %reduce_max3A_637 = vector.extract %reduce_max3A_636[15] : f32 from vector<16xf32>
      %sub3A_638 = vector.broadcast %reduce_max3A_637 : f32 to vector<16xf32>
      %sub3A_639 = arith.subf %add3A_633, %sub3A_638 : vector<16xf32>
      %exp3A = math.exp %sub3A_639 : vector<16xf32>
      %reduce_sum3A_640 = arith.constant true
      %reduce_sum3A_641 = vector.broadcast %reduce_sum3A_640 : i1 to vector<16xi1>
      %reduce_sum3A_642 = tpu.scan <sum>, %exp3A masked %reduce_sum3A_641 : vector<16xf32>, vector<16xi1> -> vector<16xf32>
      %reduce_sum3A_643 = vector.extract %reduce_sum3A_642[15] : f32 from vector<16xf32>
      %broadcast_in_dim3A_644 = vector.broadcast %reduce_sum3A_643 : f32 to vector<16xf32>
      %bitcast3A_645 = vector.bitcast %broadcast_in_dim3A_644 : vector<16xf32> to vector<16xi32>
      %shift_right_arithmetic3A_646 = arith.constant 23 : i32
      %shift_right_arithmetic3A_647 = vector.broadcast %shift_right_arithmetic3A_646 : i32 to vector<16xi32>
      %shift_right_arithmetic3A_648 = arith.shrsi %bitcast3A_645, %shift_right_arithmetic3A_647 : vector<16xi32>
      %sub3A_649 = arith.constant 127 : i32
      %sub3A_650 = vector.broadcast %sub3A_649 : i32 to vector<16xi32>
      %sub3A_651 = arith.subi %shift_right_arithmetic3A_648, %sub3A_650 : vector<16xi32>
      %convert_element_type3A_652 = arith.sitofp %sub3A_651 : vector<16xi32> to vector<16xf32>
      %and3A_653 = arith.constant 8388607 : i32
      %and3A_654 = vector.broadcast %and3A_653 : i32 to vector<16xi32>
      %and3A_655 = arith.andi %bitcast3A_645, %and3A_654 : vector<16xi32>
      %or3A_656 = arith.constant 1065353216 : i32
      %or3A_657 = vector.broadcast %or3A_656 : i32 to vector<16xi32>
      %or3A_658 = arith.ori %and3A_655, %or3A_657 : vector<16xi32>
      %bitcast3A_659 = vector.bitcast %or3A_658 : vector<16xi32> to vector<16xf32>
      %sub3A_660 = arith.constant 1.000000e+00 : f32
      %sub3A_661 = vector.broadcast %sub3A_660 : f32 to vector<16xf32>
      %sub3A_662 = arith.subf %bitcast3A_659, %sub3A_661 : vector<16xf32>
      %mul3A_663 = arith.constant -0.00615154486 : f32
      %mul3A_664 = vector.broadcast %mul3A_663 : f32 to vector<16xf32>
      %mul3A_665 = arith.mulf %mul3A_664, %sub3A_662 : vector<16xf32>
      %add3A_666 = arith.constant 0.034850128 : f32
      %add3A_667 = vector.broadcast %add3A_666 : f32 to vector<16xf32>
      %add3A_668 = arith.addf %mul3A_665, %add3A_667 : vector<16xf32>
      %mul3A_669 = arith.mulf %add3A_668, %sub3A_662 : vector<16xf32>
      %add3A_670 = arith.constant -0.093252942 : f32
      %add3A_671 = vector.broadcast %add3A_670 : f32 to vector<16xf32>
      %add3A_672 = arith.addf %mul3A_669, %add3A_671 : vector<16xf32>
      %mul3A_673 = arith.mulf %add3A_672, %sub3A_662 : vector<16xf32>
      %add3A_674 = arith.constant 0.165823758 : f32
      %add3A_675 = vector.broadcast %add3A_674 : f32 to vector<16xf32>
      %add3A_676 = arith.addf %mul3A_673, %add3A_675 : vector<16xf32>
      %mul3A_677 = arith.mulf %add3A_676, %sub3A_662 : vector<16xf32>
      %add3A_678 = arith.constant -0.239826784 : f32
      %add3A_679 = vector.broadcast %add3A_678 : f32 to vector<16xf32>
      %add3A_680 = arith.addf %mul3A_677, %add3A_679 : vector<16xf32>
      %mul3A_681 = arith.mulf %add3A_680, %sub3A_662 : vector<16xf32>
      %add3A_682 = arith.constant 0.33154884 : f32
      %add3A_683 = vector.broadcast %add3A_682 : f32 to vector<16xf32>
      %add3A_684 = arith.addf %mul3A_681, %add3A_683 : vector<16xf32>
      %mul3A_685 = arith.mulf %add3A_684, %sub3A_662 : vector<16xf32>
      %add3A_686 = arith.constant -0.499838591 : f32
      %add3A_687 = vector.broadcast %add3A_686 : f32 to vector<16xf32>
      %add3A_688 = arith.addf %mul3A_685, %add3A_687 : vector<16xf32>
      %mul3A_689 = arith.mulf %add3A_688, %sub3A_662 : vector<16xf32>
      %add3A_690 = arith.constant 0.999994277 : f32
      %add3A_691 = vector.broadcast %add3A_690 : f32 to vector<16xf32>
      %add3A_692 = arith.addf %mul3A_689, %add3A_691 : vector<16xf32>
      %mul3A_693 = arith.mulf %add3A_692, %sub3A_662 : vector<16xf32>
      %add3A_694 = arith.constant 3.38009229E-8 : f32
      %add3A_695 = vector.broadcast %add3A_694 : f32 to vector<16xf32>
      %add3A_696 = arith.addf %mul3A_693, %add3A_695 : vector<16xf32>
      %mul3A_697 = arith.constant 0.693147182 : f32
      %mul3A_698 = vector.broadcast %mul3A_697 : f32 to vector<16xf32>
      %mul3A_699 = arith.mulf %convert_element_type3A_652, %mul3A_698 : vector<16xf32>
      %add3A_700 = arith.addf %mul3A_699, %add3A_696 : vector<16xf32>
      %add3A_701 = vector.broadcast %reduce_max3A_637 : f32 to vector<16xf32>
      %add3A_702 = arith.addf %add3A_701, %add3A_700 : vector<16xf32>
      %neg3A = arith.constant 0.000000e+00 : f32
      %neg3A_703 = vector.broadcast %neg3A : f32 to vector<16xf32>
      %neg3A_704 = arith.subf %neg3A_703, %add3A_702 : vector<16xf32>
      %swap3A_705 = arith.constant 0 : index
      %swap3A_706 = tpu.vector_load %arg10[%swap3A_705] {strides = array<i32>} : memref<16xf32, #tpu.memory_space<vmem>>, vector<16xf32>,
      tpu.vector_store %arg10[%swap3A_705], %neg3A_704 {strides = array<i32>} : memref<16xf32, #tpu.memory_space<vmem>>, vector<16xf32>,
      "tpu.region"() ({
        %run_scoped3A = tpu.sem_alloc : memref<!tpu.dma_semaphore, #tpu.memory_space<semaphore_mem>>
        tpu.enqueue_dma source(%arg10 : memref<16xf32, #tpu.memory_space<vmem>>) target(%arg5 : memref<16xf32, #tpu.memory_space<hbm>>) target_semaphore(%run_scoped3A : memref<!tpu.dma_semaphore, #tpu.memory_space<semaphore_mem>>)
        tpu.wait_dma2 semaphore(%run_scoped3A : memref<!tpu.dma_semaphore, #tpu.memory_space<semaphore_mem>>) src(%arg10 : memref<16xf32, #tpu.memory_space<vmem>>) dst(%arg5 : memref<16xf32, #tpu.memory_space<hbm>>)
        tpu.yield
      }) : () -> ()
    } else {
    }
    return
  }
}

</mosaic_0001>

<sc_bundles>
// kernel: kernel.3.cloned.1.call-start
scs
__scs_entry_jumppad:
0x0: {  	(pc) =	sbr.rel $0x88, $3  }
0x1: {  	(tag) =	ssettag $0x0;
	lr =	simm.s32 $0x1  }
0x2: {  	[smem:$0x3F9E] =	sst lr;
	_ =	strace $0xD0000000  }
0x3: {  	_ = 	snop  }
0x4: {  	_ = 	snop  }
0x5: {  	_ = 	snop  }
0x6: {  	_ = 	snop  }
0x7: {  	_ = 	snop  }
__scs_overlays_trampoline_lowered:
0x8: {  	[smem:$0x3FAD] =	sst s0  }
0x9: {  	[smem:$0x3FAE] =	sst s1  }
0xa: {  	[smem:$0x3FAF] =	sst s2  }
0xb: {  	[smem:$0x3FB0] =	sst s3  }
0xc: {  	[smem:$0x3FB1] =	sst s4  }
0xd: {  	[smem:$0x3FB2] =	sst s5  }
0xe: {  	[smem:$0x3FB3] =	sst s6  }
0xf: {  	[smem:$0x3FB4] =	sst s7  }
0x10: {  	[smem:$0x3FB5] =	sst s8  }
0x11: {  	[smem:$0x3FB6] =	sst s9;
	s0 =	simm.s32 @!p0 $0x0  }
0x12: {  	s1 =	sld [smem:$0x3F9C];
	s0 =	simm.s32 @p0 $0x1  }
0x13: {  	[smem:$0x3FB7] =	sst s0;
	s0 =	simm.s32 @!p1 $0x0  }
0x14: {  	s2 =	sld [smem:$0x3F9B];
	s0 =	simm.s32 @p1 $0x1  }
0x15: {  	[smem:$0x3FB8] =	sst s0;
	s0 =	simm.s32 @!p2 $0x0  }
0x16: {  	s3 =	sld [smem:$0x3FDB];
	s0 =	simm.s32 @p2 $0x1  }
0x17: {  	s4 =	simm.s32 $0x1BF5;
	[smem:$0x3FBA] =	sst s0  }
0x18: {  	s0 =	sld [smem:$0x3F9D];
	_ =	swait.ge [sflag:s4], $0x0  }
0x19: {  	s7 =	sld [smem:$0x3F9E]  }
0x1a: {  	s8 =	sadd.s32 $0xFFFFE003, lr  }
0x1b: {  	s9 =	sadd.s32 $0xFFFFFEF7, lr;
	s5 =	simm.s32 $0xFFFFFFFF;
	p2 =	slt.u32 s8, $0xFFFFF086  }
0x1c: {  	p1 =	slt.u32 s9, $0xF7A;
	s5 =	simm.s32 @!p2 $0x0  }
0x1d: {  	s5 =	simm.s32 @p1 $0x1;
	p0 =	seq.s32 s7, s2  }
0x1e: {  	s7 =	smul.u32 @!p0 $0xF7A, s2;
	p2 =	seq.s32 @!p0 s5, $0x0  }
0x1f: {  	s9 =	smul.u32 $0xF7A, s1;
	s8 =	simm.s32 @!p0 $0x1BF5;
	p2 =	por !p2, p0  }
0x20: {  	[sflag:s8] =	ssyncset.s32 @!p0 $0xFFFFF086;
	s6 =	sadd.s32 @!p0 s3, s7;
	s7 =	simm.s32 @!p0 $0x108  }
0x21: {  	s3 =	sadd.s32 s3, s9;
	s6 =	sadd.s32 @!p0 $0x88, s6;
	s7 =	simm.s32 @p2 $0x1082  }
0x22: {  	[simem:s7], [sflag:s8] =	dma.local @!p0 [hbm:s6], $0xF7A  }
0x23: {  	s9 =	sor.u32 $0xD0000000, s2;
	s6 =	simm.s32 $0x108;
	_ =	swait.ge @!p0 [sflag:s8], $0x0  }
0x24: {  	s3 =	sadd.s32 $0x88, s3;
	s6 =	simm.s32 @!p1 $0x1082;
	[sflag:s4] =	ssyncset.s32 $0xFFFFF086  }
0x25: {  	[simem:s6], [sflag:s4] =	dma.local [hbm:s3], $0xF7A  }
0x26: {  	[smem:$0x3F9E] =	sst s1;
	(tag) =	ssettag s2;
	_ =	strace s9  }
0x27: {  	s1 =	sld [smem:$0x3FAE]  }
0x28: {  	s2 =	sld [smem:$0x3FAF]  }
0x29: {  	s4 =	sld [smem:$0x3FB1]  }
0x2a: {  	p0 =	seq.s32 s5, $0x0;
	s5 =	sld [smem:$0x3FB2]  }
0x2b: {  	s6 =	sld [smem:$0x3FB3]  }
0x2c: {  	s7 =	sld [smem:$0x3FB4]  }
0x2d: {  	s3 =	simm.s32 $0x108;
	s8 =	sld [smem:$0x3FB5]  }
0x2e: {  	s3 =	simm.s32 @!p0 $0x1082;
	s9 =	sld [smem:$0x3FB6]  }
0x2f: {  	lr =	sadd.s32 s0, s3;
	s0 =	sld [smem:$0x3FAD]  }
0x30: {  	s3 =	sld [smem:$0x3FB0]  }
0x31: {  	[smem:$0x3FB9] =	sst s10  }
0x32: {  	s10 =	sld [smem:$0x3FB7];
	_ =	sdelay $0x3  }
0x33: {  	p0 =	seq.s32 s10, $0x1;
	s10 =	sld [smem:$0x3FB9];
	_ =	sdelay $0x3  }
0x34: {  	[smem:$0x3FB9] =	sst s10  }
0x35: {  	s10 =	sld [smem:$0x3FB8];
	_ =	sdelay $0x3  }
0x36: {  	p1 =	seq.s32 s10, $0x1;
	s10 =	sld [smem:$0x3FB9];
	_ =	sdelay $0x3  }
0x37: {  	[smem:$0x3FB9] =	sst s10  }
0x38: {  	s10 =	sld [smem:$0x3FBA]  }
0x39: {  	_ = 	snop;
	(pc) =	sbr.ind lr, $3  }
0x3a: {  	_ = 	snop  }
0x3b: {  	_ = 	snop  }
0x3c: {  	p2 =	seq.s32 s10, $0x1;
	s10 =	sld [smem:$0x3FB9]  }
0x3d: {  	_ =	shalt  }
0x3e: {  	_ =	shalt  }
0x3f: {  	_ =	shalt  }
0x40: {  	_ =	shalt  }
0x41: {  	_ =	shalt  }
0x42: {  	_ =	shalt  }
0x43: {  	_ =	shalt  }
0x44: {  	_ =	shalt  }
0x45: {  	_ =	shalt  }
0x46: {  	_ =	shalt  }
0x47: {  	_ =	shalt  }
0x48: {  	_ =	shalt  }
0x49: {  	_ =	shalt  }
0x4a: {  	_ =	shalt  }
0x4b: {  	_ =	shalt  }
0x4c: {  	_ =	shalt  }
0x4d: {  	_ =	shalt  }
0x4e: {  	_ =	shalt  }
0x4f: {  	_ =	shalt  }
0x50: {  	_ =	shalt  }
0x51: {  	_ =	shalt  }
0x52: {  	_ =	shalt  }
0x53: {  	_ =	shalt  }
0x54: {  	_ =	shalt  }
0x55: {  	_ =	shalt  }
0x56: {  	_ =	shalt  }
0x57: {  	_ =	shalt  }
0x58: {  	_ =	shalt  }
0x59: {  	_ =	shalt  }
0x5a: {  	_ =	shalt  }
0x5b: {  	_ =	shalt  }
0x5c: {  	_ =	shalt  }
0x5d: {  	_ =	shalt  }
0x5e: {  	_ =	shalt  }
0x5f: {  	_ =	shalt  }
0x60: {  	_ =	shalt  }
0x61: {  	_ =	shalt  }
0x62: {  	_ =	shalt  }
0x63: {  	_ =	shalt  }
0x64: {  	_ =	shalt  }
0x65: {  	_ =	shalt  }
0x66: {  	_ =	shalt  }
0x67: {  	_ =	shalt  }
0x68: {  	_ =	shalt  }
0x69: {  	_ =	shalt  }
0x6a: {  	_ =	shalt  }
0x6b: {  	_ =	shalt  }
0x6c: {  	_ =	shalt  }
0x6d: {  	_ =	shalt  }
0x6e: {  	_ =	shalt  }
0x6f: {  	_ =	shalt  }
0x70: {  	_ =	shalt  }
0x71: {  	_ =	shalt  }
0x72: {  	_ =	shalt  }
0x73: {  	_ =	shalt  }
0x74: {  	_ =	shalt  }
0x75: {  	_ =	shalt  }
0x76: {  	_ =	shalt  }
0x77: {  	_ =	shalt  }
0x78: {  	_ =	shalt  }
0x79: {  	_ =	shalt  }
0x7a: {  	_ =	shalt  }
0x7b: {  	_ =	shalt  }
0x7c: {  	_ =	shalt  }
0x7d: {  	_ =	shalt  }
0x7e: {  	_ =	shalt  }
0x7f: {  	_ =	shalt  }
0x80: {  	_ =	shalt  }
0x81: {  	_ =	shalt  }
0x82: {  	_ =	shalt  }
0x83: {  	_ =	shalt  }
0x84: {  	_ =	shalt  }
0x85: {  	_ =	shalt  }
0x86: {  	_ =	shalt  }
0x87: {  	_ =	shalt  }
.Lfunc_end0:
.L_simem_size_0:
called_computation_lowered:
.L_overlay_start_0:
0x88: {  	s2 =	sld [smem:$0x3FD9]  }
0x89: {  	s3 =	sld [smem:$0x3FFE];
	_ =	sdelay $0x1  }
0x8a: {  	s1 =	srdreg.scid  }
0x8b: {  	s0 =	sand.u32 $0x1, s1  }
0x8c: {  	s17 =	sshll.u32 s0, $0xA;
	s2 =	sadd.s32 s3, s2  }
0x8d: {  	s2 =	sadd.s32 s2, s17  }
0x8e: {  	[smem:$0x3FC5] =	sst s2  }
0x8f: {  	_ = 	snop  }
0x90: {  	s2 =	sld [smem:$0x3FC9]  }
0x91: {  	s18 =	sld [smem:$0x3FC8]  }
0x92: {  	s4 =	sld [smem:$0x3FC7]  }
0x93: {  	s5 =	sld [smem:$0x3FD0];
	(tm) =	ssettm $0x1  }
0x94: {  	s6 =	sld [smem:$0x3FFB];
	_ =	sdelay $0x3  }
0x95: {  	_ =	strace s6  }
0x96: {  	s6 =	sld [smem:$0x3FFC];
	_ =	sdelay $0x3  }
0x97: {  	_ =	strace s6  }
0x98: {  	s6 =	sld [smem:$0x3FFD];
	_ =	sdelay $0x3  }
0x99: {  	_ =	strace s6  }
0x9a: {  	_ =	strace $0x8FFFFFFF  }
0x9b: {  	s19 =	sld [smem:$0x3FDB];
	_ =	sdelay $0x1  }
0x9c: {  	s7 =	simm.s32 $_scs_section_size  }
0x9d: {  	s8 =	simm.s32 $_size__tile_overlayer_lowered;
	s9 =	simm.s32 $_tile_overlayer_lowered  }
0x9e: {  	s22 =	simm.s32 $0x1BFF;
	s21 =	sshll.u32 s9, $0x1;
	s6 =	sadd.s32 s7, s19  }
0x9f: {  	s10 =	simm.s32 $0x0;
	s20 =	sshll.u32 s8, $0x1;
	s8 =	sadd.s32 s21, s6  }
0xa0: {  	[timem:s10], [sflag:s22] =	dma.local [hbm:s8], s20  }
0xa1: {  	_ =	swait.ge [sflag:s22], s20  }
0xa2: {  	s7 =	ssub.s32 $0x0, s20;
	[sflag:s22] =	ssyncset.done $0x0  }
0xa3: {  	[sflag:s22] =	ssyncadd.s32 s7;
	_ =	sdelay $0x1  }
0xa4: {  	s23 =	simm.s32 $0x1B8B  }
0xa5: {  	_ =	swait.ge [sflag:s23], $0x1  }
0xa6: {  	[sflag:s23] =	ssyncset.done $0x0  }
0xa7: {  	s25 =	simm.s32 $0x1B8E;
	s24 =	sld [smem:$0x3FFE];
	[sflag:s23] =	ssyncadd.s32 $0xFFFFFFFF  }
0xa8: {  	s26 =	simm.s32 $execute0_lowered;
	[smem:$0x3FD2] =	sst s25  }
0xa9: {  	s8 =	sshll.u32 s26, $0x1;
	_ =	strace $0x80000046;
	[dreg:$0x1] =	wrdreg $0xFFFFFFFF  }
0xaa: {  	s28 =	simm.s32 $_size_execute0_lowered;
	s6 =	sadd.s32 s6, s8;
	[dreg:$0x0] =	wrdreg $0x0  }
0xab: {  	s8 =	sshll.u32 s28, $0x1;
	[dreg:$0x2] =	wrdreg s6  }
0xac: {  	[dreg:$0x3] =	wrdreg s8  }
0xad: {  	[dreg:$0x4] =	wrdreg $0xC0  }
0xae: {  	_ =	task [dreg:s10], $0x5FFFF  }
0xaf: {  	[dreg:$0x1] =	wrdreg $0xFFFFFFFF  }
0xb0: {  	[dreg:$0x0] =	wrdreg $0x60  }
0xb1: {  	[dreg:$0x2] =	wrdreg s2  }
0xb2: {  	[dreg:$0x3] =	wrdreg s18  }
0xb3: {  	[dreg:$0x4] =	wrdreg s4  }
0xb4: {  	[dreg:$0x5] =	wrdreg s5  }
0xb5: {  	[dreg:$0x6] =	wrdreg s24  }
0xb6: {  	[dreg:$0x7] =	wrdreg $0x9  }
0xb7: {  	_ =	task.clear_ibuf [dreg:s10], $0x8FFFF;
	_ =	strace $0x90000046  }
0xb8: {  	s29 =	simm.s32 $0x9;
	_ =	strace $0x80000048  }
0xb9: {  	_ =	swait.ge [sflag:s29], $0x1  }
0xba: {  	[sflag:s29] =	ssyncadd.s32 $0xFFFFFFFF  }
0xbb: {  	_ =	strace $0x90000048  }
0xbc: {  	_ =	sfence  }
0xbd: {  	s30 =	sld [smem:$0x0];
	_ =	sdelay $0x2  }
0xbe: {  	s31 =	sshll.u32 s1, $0xD;
	s1 =	sshrl.u32 s1, $0x2  }
0xbf: {  	s3 =	sand.u32 $0x4000, s31;
	s1 =	sadd.s32 s1, s30  }
0xc0: {  	s0 =	sor.u32 s3, s0;
	s1 =	sshll.u32 s1, $0x11  }
0xc1: {  	s0 =	sor.u32 s1, s0  }
0xc2: {  	s0 =	sadd.s32 $0x8F2B, s0  }
0xc3: {  	[sflag:s0] =	ssyncadd.remote.s32 $0x1  }
0xc4: {  	_ =	sfence.sel $0xFFFF  }
0xc5: {  	[dreg:$0x0] =	wrdreg $0xFFFFFFFF;
	(pc) =	sbr.abs _section_cstart, $3  }
0xc6: {  	[dreg:$0x1] =	wrdreg $0xFFFFFFFF  }
0xc7: {  	_ =	task.clear_ibuf [dreg:s10], $0x2FFFF;
	_ =	strace $0x9FFFFFFF  }
0xc8: {  	(tm) =	ssettm $0x7FFFFFFF  }
0xc9: {  	_ =	shalt  }
tec
execute0_lowered:
.L_overlay_start_1:
0x0: {  	(tag) =	ssettag $0x1  }
0x1: {  	s0 =	rddreg [dreg:$0x0]  }
0x2: {  	s2 =	rddreg [dreg:$0x2]  }
0x3: {  	s1 =	rddreg [dreg:$0x4];
	s4 =	simm.s32 $0x0;
	s3 =	srdreg.scid  }
0x4: {  	s8 =	stileid.u32;
	s15 =	simm.s32 $0x3;
	s17 =	simm.s32 $0xC80  }
0x5: {  	s24 =	simm.s32 $0x600;
	s28 =	simm.s32 $0xA80;
	s29 =	simm.s32 $0x700  }
0x6: {  	s30 =	simm.s32 $0xB00;
	s31 =	simm.s32 $0x780;
	s14 =	simm.s32 $0x2  }
0x7: {  	s16 =	simm.s32 $0xE80;
	s18 =	simm.s32 $0x0;
	[smem:$0x7FF] =	sst s4  }
0x8: {  	s3 =	sand.u32 $0x1, s3;
	s6 =	sadd.s32 $0x800, s1;
	p1 =	seq.s32 s8, $0x0  }
0x9: {  	s25 =	sshrl.u32 s8, $0x3;
	_ =	strace $0x80000047;
	s5 =	ssub.s32 $0x2, s3  }
0xa: {  	p2 =	seq.s32 s3, $0x1;
	p0 =	seq.s32 s3, $0x0;
	s13 =	sor.u32 s8, s3  }
0xb: {  	s8 =	sshll.u32 s8, $0x7;
	s9 =	sshll.u32 s25, $0xE;
	s10 =	smul.u32 $0xC00, s3  }
0xc: {  	s11 =	sshll.u32 s3, $0xD;
	s12 =	sshll.u32 s25, $0xA;
	p3 =	sne.s32 s3, $0x0  }
0xd: {  	s25 =	simm.s32 $0xA00;
	s3 =	simm.s32 $0x800;
	s7 =	sshrl.u32 s5, $0x1  }
0xe: {  	p1 =	por !p1, !p2;
	s8 =	sand.u32 $0x380, s8;
	p2 =	sne.s32 s13, $0x0  }
0xf: {  	vm1 =	vmxor vm1, vm1;
	s13 =	simm.s32 $0x80;
	s5 =	ssub.s32 s5, s7;
	p1 =	por !p1, !p1  }
0x10: {  	vm0 =	vmmov $0x1;
	v0 =	vimm.s32 $0x0;
	v1 =	vimm.f32 $0.0e+00;
	s9 =	sor.u32 s8, s9;
	s7 =	sadd.s32 $0x400, s0;
	s10 =	sadd.s32 s10, s12  }
.Ltmp0:
0x11: {  	vm4 =	vcmask $0xB10;
	vm5 =	vcmask $0xF14;
	vm6 =	vcmask $0x1318;
	s11 =	sor.u32 s11, s9;
	s9 =	sshrl.u32 s9, $0x3;
	(pc) =	sbr.rel .LBB2_1-.Ltmp0, $4  }
0x12: {  	vm7 =	vcmask $0x171C;
	vm8 =	vcmask $0x1B20;
	vm9 =	vcmask $0x1F24;
	s10 =	sor.u32 s8, s10;
	s12 =	smax.u32 s5, $0x1;
	s5 =	simm.s32 $0x1  }
0x13: {  	vm10 =	vcmask $0x2328;
	vm11 =	vcmask $0x272C;
	vm12 =	vcmask $0x2B30;
	s11 =	sshrl.u32 s11, $0x3;
	s9 =	sadd.s32 s9, s7;
	s26 =	sshrl.u32 s10, $0x3  }
0x14: {  	vm13 =	vcmask $0x2F34;
	vm14 =	vcmask $0x3338;
	vm1 =	vmneg @p0 vm1;
	s8 =	sadd.s32 s0, s11;
	s10 =	sadd.s32 s6, s26;
	s11 =	sadd.s32 $0xA80, s1  }
0x15: {  	vm15 =	vcmask $0x373C;
	vm2 =	vmmov $0x7fff;
	vm1 =	vmand vm1, vm0;
	s26 =	simm.s32 $0x680;
	s0 =	simm.s32 $0xB80;
	s1 =	simm.s32 $0xC00  }
.LBB2_23:
0x16: {  	s18 =	sadd.s32 $0x1, s18  }
0x17: {  	p4 =	sne.s32 s18, s12  }
.Ltmp1:
0x18: {  	_ = 	snop;
	(pc) =	sbr.rel @!p4 .LBB2_24-.Ltmp1, $1  }
0x19: {  	_ =	sdelay $0x3  }
.LBB2_1:
0x1a: {  	s19 =	simm.s32 @!p2 $0x0;
	s20 =	simm.s32 @!p2 $0xD80  }
0x1b: {  	[tilespmem:s20], [sflag:$0x3] =	stream.linear.gather @!p2 [hbm4b:s7+s19], $0x10, $0x38;
	[tilespmem:$0x2680] =	vst v63  }
0x1c: {  	s19 =	simm.s32 @!p2 $0x3  }
0x1d: {  	_ =	swait.ge @!p2 [sflag:s19], $0x10  }
0x1e: {  	[sflag:s19] =	ssyncset.done @!p2 $0x0  }
0x1f: {  	s21 =	simm.s32 $0x400;
	[sflag:s19] =	ssyncadd.s32 @!p2 $0xFFFFFFF0  }
0x20: {  	[tilespmem:s4], [sflag:$0x3] =	stream.strided.gather [hbm4b:s8+s13], $0x400, s21, s13, $0x38;
	[tilespmem:$0x2680] =	vst v63  }
0x21: {  	_ =	swait.ge [sflag:s15], $0x400  }
0x22: {  	[sflag:s15] =	ssyncset.done $0x0  }
0x23: {  	[sflag:s15] =	ssyncadd.s32 $0xFFFFFC00  }
0x24: {  	s20 =	simm.s32 @!p3 $0x400;
	s19 =	simm.s32 @!p3 $0x0;
	[tilespmem:$0x400] =	vst v0  }
0x25: {  	[tilespmem:s20], [sflag:$0x1] =	stream.linear.gather @!p3 [hbm4b:s9+s19], $0x10, $0x38;
	[tilespmem:$0x2680] =	vst v63  }
0x26: {  	v2 =	vld [tilespmem:$0x0];
	_ =	sdelay $0x4  }
0x27: {  	v2 =	vnsel vm0, $0xFFFFFFFF, v2  }
0x28: {  	v2 =	vxor.u32 $0x80000000, v2  }
0x29: {  	(xrf0) =	vmax.scan.msk.u32 $0xffff, v2;
	_ =	sdelay $0x5  }
0x2a: {  	v2, _, _ =	vpop (xrf0)  }
0x2b: {  	(v2sf) =	vpush v2, $0xF;
	_ =	sdelay $0xe  }
0x2c: {  	s22 =	spop (v2sf)  }
0x2d: {  	s19 =	sxor.u32 $0x80000000, s22  }
0x2e: {  	v2 =	vmov s19  }
0x2f: {  	s23 =	simm.s32 $0x10;
	s21 =	simm.s32 $0xD00;
	s22 =	rddreg [dreg:$0x1];
	[tilespmem:$0xD00] =	vst v2  }
0x30: {  	[tilespmem:s17], [sflag:$0x1] =	stream.indirect.gather [hbm4b:s22+s23], $0x1, s21, s23, $0xb8;
	[tilespmem:$0x2680] =	vst v63  }
0x31: {  	v3 =	vld [tilespmem:s23+$0x0]  }
0x32: {  	v4 =	vld [tilespmem:s23+$0x1];
	_ =	sdelay $0x2  }
0x33: {  	v5 =	vld [tilespmem:s23+$0xFFFFFFF0];
	_ =	sdelay $0x1  }
0x34: {  	v7 =	vld [tilespmem:s23+$0xFFFFFFF1];
	v6 =	vshll.u32 v3, $0xD;
	v8 =	vshll.u32 v4, $0x3  }
0x35: {  	s23 =	simm.s32 $0x30;
	v3 =	vshll.u32 v3, $0x7;
	v9 =	vand.u32 $0xFFFF0000, v6;
	v8 =	vand.u32 $0xFFFFFC00, v8  }
0x36: {  	v2 =	vld [tilespmem:s23+$0x0];
	v3 =	vand.u32 $0x380, v3;
	v8 =	vadd.s32 v9, v8  }
0x37: {  	v10 =	vshll.u32 v5, $0xD;
	v4 =	vand.u32 $0x7F, v4;
	v6 =	vld [tilespmem:s23+$0x1];
	v3 =	vor.u32 v3, v8  }
0x38: {  	v8 =	vand.u32 $0xFFFF0000, v10;
	v10 =	vor.u32 v4, v3;
	v4 =	vld [tilespmem:s23+$0xFFFFFFF1]  }
0x39: {  	v9 =	vshll.u32 v7, $0x3;
	v3 =	vand.u32 $0x7F, v7;
	v7 =	vld [tilespmem:s23+$0xFFFFFFF0]  }
0x3a: {  	v5 =	vshll.u32 v5, $0x7;
	v9 =	vand.u32 $0xFFFFFC00, v9  }
0x3b: {  	s19 =	simm.s32 $0x490;
	v5 =	vand.u32 $0x380, v5;
	v11 =	vadd.s32 v8, v9  }
0x3c: {  	s20 =	simm.s32 $0x490;
	s21 =	simm.s32 $0x2;
	s22 =	simm.s32 $0x50;
	v8 =	vshll.u32 v2, $0xD;
	[tilespmem:s19+$0x0] =	vst v10;
	v5 =	vor.u32 v5, v11;
	v9 =	vshll.u32 v6, $0x3  }
.LBB2_2:
0x3d: {  	v8 =	vand.u32 $0xFFFF0000, v8;
	v9 =	vand.u32 $0xFFFFFC00, v9;
	v14 =	vshll.u32 v2, $0x7;
	v2 =	vld [tilespmem:s22+$0x0];
	v11 =	vmovc v4;
	s21 =	sadd.s32 $0x2, s21  }
0x3e: {  	v12 =	vld [tilespmem:s22+$0x1];
	v13 =	vshll.u32 v7, $0xD;
	v8 =	vadd.s32 v8, v9;
	v9 =	vand.u32 $0x380, v14;
	v10 =	vmovc v7;
	p4 =	slt.u32 s21, $0x6  }
.Ltmp2:
0x3f: {  	v6 =	vand.u32 $0x7F, v6;
	v14 =	vshll.u32 v11, $0x3;
	v4 =	vld [tilespmem:s22+$0xFFFFFFF1];
	v8 =	vor.u32 v9, v8;
	(pc) =	sbr.rel @p4 .LBB2_2-.Ltmp2, $4  }
0x40: {  	s19 =	sadd.s32 $0x20, s19;
	v9 =	vand.u32 $0xFFFF0000, v13;
	v13 =	vand.u32 $0xFFFFFC00, v14;
	v7 =	vld [tilespmem:s22+$0xFFFFFFF0];
	v6 =	vor.u32 v6, v8  }
0x41: {  	v13 =	vadd.s32 v9, v13;
	v8 =	vshll.u32 v10, $0x7;
	v9 =	vand.u32 $0x7F, v11;
	[tilespmem:s19+$0x0] =	vst v6  }
0x42: {  	v10 =	vor.u32 v3, v5;
	v11 =	vand.u32 $0x380, v8;
	v3 =	vmov v9  }
0x43: {  	s22 =	sadd.s32 $0x20, s22;
	v8 =	vshll.u32 v2, $0xD;
	v5 =	vor.u32 v11, v13;
	v9 =	vshll.u32 v12, $0x3;
	[tilespmem:s20+$0xFFFFFFF0] =	vst v10;
	v6 =	vmovc v12;
	s20 =	smov.u32 s19  }
0x44: {  	v8 =	vand.u32 $0xFFFF0000, v8;
	v9 =	vand.u32 $0xFFFFFC00, v9;
	v2 =	vshll.u32 v2, $0x7  }
0x45: {  	v6 =	vand.u32 $0x7F, v6;
	v10 =	vshll.u32 v7, $0xD;
	v8 =	vadd.s32 v8, v9  }
0x46: {  	v2 =	vand.u32 $0x380, v2;
	v9 =	vshll.u32 v4, $0x3;
	v7 =	vshll.u32 v7, $0x7  }
0x47: {  	v2 =	vor.u32 v2, v8;
	v8 =	vand.u32 $0xFFFF0000, v10;
	v9 =	vand.u32 $0xFFFFFC00, v9  }
0x48: {  	s19 =	sadd.s32 $0x20, s19;
	v7 =	vand.u32 $0x380, v7;
	v2 =	vor.u32 v6, v2;
	v6 =	vadd.s32 v8, v9  }
0x49: {  	v4 =	vand.u32 $0x7F, v4;
	[tilespmem:s19+$0x0] =	vst v2;
	v2 =	vor.u32 v3, v5;
	v3 =	vor.u32 v7, v6  }
0x4a: {  	[tilespmem:s20+$0xFFFFFFF0] =	vst v2;
	v2 =	vor.u32 v4, v3  }
0x4b: {  	s21 =	simm.s32 $0x880;
	s22 =	simm.s32 $0x91;
	s20 =	simm.s32 $0x480;
	[tilespmem:s19+$0xFFFFFFF0] =	vst v2  }
0x4c: {  	[tilespmem:s21], [sflag:$0x2] =	stream.indirect.gather [hbm4b:s2+s13], $0x1, s20, s13, $0xb8;
	[tilespmem:$0x2680] =	vst v63  }
0x4d: {  	v3 =	vld [tilespmem:s22+$0xFFFFFFFF]  }
0x4e: {  	v4 =	vld [tilespmem:s22+$0x0];
	_ =	sdelay $0x2  }
0x4f: {  	v5 =	vld [tilespmem:s22+$0xFFFFFFEF];
	_ =	sdelay $0x1  }
0x50: {  	v7 =	vld [tilespmem:s22+$0xFFFFFFF0];
	v6 =	vshll.u32 v3, $0xD;
	v8 =	vshll.u32 v4, $0x3  }
0x51: {  	s23 =	simm.s32 $0xB1;
	v3 =	vshll.u32 v3, $0x7;
	v9 =	vand.u32 $0xFFFF0000, v6;
	v8 =	vand.u32 $0xFFFFFC00, v8  }
0x52: {  	v2 =	vld [tilespmem:s23+$0xFFFFFFFF];
	v3 =	vand.u32 $0x380, v3;
	v8 =	vadd.s32 v9, v8  }
0x53: {  	v10 =	vshll.u32 v5, $0xD;
	v4 =	vand.u32 $0x7F, v4;
	v6 =	vld [tilespmem:s23+$0x0];
	v3 =	vor.u32 v3, v8  }
0x54: {  	v8 =	vand.u32 $0xFFFF0000, v10;
	v10 =	vor.u32 v4, v3;
	v4 =	vld [tilespmem:s23+$0xFFFFFFF0]  }
0x55: {  	v9 =	vshll.u32 v7, $0x3;
	v3 =	vand.u32 $0x7F, v7;
	v7 =	vld [tilespmem:s23+$0xFFFFFFEF]  }
0x56: {  	v5 =	vshll.u32 v5, $0x7;
	v9 =	vand.u32 $0xFFFFFC00, v9  }
0x57: {  	s19 =	simm.s32 $0x510;
	v5 =	vand.u32 $0x380, v5;
	v11 =	vadd.s32 v8, v9  }
0x58: {  	s21 =	simm.s32 $0x2;
	s20 =	simm.s32 $0x510;
	s22 =	simm.s32 $0xD1;
	v8 =	vshll.u32 v2, $0xD;
	[tilespmem:s19+$0x0] =	vst v10;
	v5 =	vor.u32 v5, v11;
	v9 =	vshll.u32 v6, $0x3  }
.LBB2_4:
0x59: {  	v8 =	vand.u32 $0xFFFF0000, v8;
	v9 =	vand.u32 $0xFFFFFC00, v9;
	v14 =	vshll.u32 v2, $0x7;
	v2 =	vld [tilespmem:s22+$0xFFFFFFFF];
	v11 =	vmovc v4;
	s21 =	sadd.s32 $0x2, s21  }
0x5a: {  	v12 =	vld [tilespmem:s22+$0x0];
	v13 =	vshll.u32 v7, $0xD;
	v8 =	vadd.s32 v8, v9;
	v9 =	vand.u32 $0x380, v14;
	v10 =	vmovc v7;
	p4 =	slt.u32 s21, $0x6  }
.Ltmp3:
0x5b: {  	v6 =	vand.u32 $0x7F, v6;
	v14 =	vshll.u32 v11, $0x3;
	v4 =	vld [tilespmem:s22+$0xFFFFFFF0];
	v8 =	vor.u32 v9, v8;
	(pc) =	sbr.rel @p4 .LBB2_4-.Ltmp3, $4  }
0x5c: {  	s19 =	sadd.s32 $0x20, s19;
	v9 =	vand.u32 $0xFFFF0000, v13;
	v13 =	vand.u32 $0xFFFFFC00, v14;
	v7 =	vld [tilespmem:s22+$0xFFFFFFEF];
	v6 =	vor.u32 v6, v8  }
0x5d: {  	v13 =	vadd.s32 v9, v13;
	v8 =	vshll.u32 v10, $0x7;
	v9 =	vand.u32 $0x7F, v11;
	[tilespmem:s19+$0x0] =	vst v6  }
0x5e: {  	v10 =	vor.u32 v3, v5;
	v11 =	vand.u32 $0x380, v8;
	v3 =	vmov v9  }
0x5f: {  	s22 =	sadd.s32 $0x20, s22;
	v8 =	vshll.u32 v2, $0xD;
	v5 =	vor.u32 v11, v13;
	v9 =	vshll.u32 v12, $0x3;
	[tilespmem:s20+$0xFFFFFFF0] =	vst v10;
	v6 =	vmovc v12;
	s20 =	smov.u32 s19  }
0x60: {  	v8 =	vand.u32 $0xFFFF0000, v8;
	v9 =	vand.u32 $0xFFFFFC00, v9;
	v2 =	vshll.u32 v2, $0x7  }
0x61: {  	v6 =	vand.u32 $0x7F, v6;
	v10 =	vshll.u32 v7, $0xD;
	v8 =	vadd.s32 v8, v9  }
0x62: {  	v2 =	vand.u32 $0x380, v2;
	v9 =	vshll.u32 v4, $0x3;
	v7 =	vshll.u32 v7, $0x7  }
0x63: {  	v2 =	vor.u32 v2, v8;
	v8 =	vand.u32 $0xFFFF0000, v10;
	v9 =	vand.u32 $0xFFFFFC00, v9  }
0x64: {  	s19 =	sadd.s32 $0x20, s19;
	v7 =	vand.u32 $0x380, v7;
	v2 =	vor.u32 v6, v2;
	v6 =	vadd.s32 v8, v9  }
0x65: {  	v4 =	vand.u32 $0x7F, v4;
	[tilespmem:s19+$0x0] =	vst v2;
	v2 =	vor.u32 v3, v5;
	v3 =	vor.u32 v7, v6  }
0x66: {  	[tilespmem:s20+$0xFFFFFFF0] =	vst v2;
	v2 =	vor.u32 v4, v3  }
0x67: {  	s21 =	simm.s32 $0x900;
	s22 =	simm.s32 $0x111;
	s20 =	simm.s32 $0x500;
	[tilespmem:s19+$0xFFFFFFF0] =	vst v2  }
0x68: {  	[tilespmem:s21], [sflag:$0x2] =	stream.indirect.gather [hbm4b:s2+s13], $0x1, s20, s13, $0xb8;
	[tilespmem:$0x2680] =	vst v63  }
0x69: {  	v3 =	vld [tilespmem:s22+$0xFFFFFFFF]  }
0x6a: {  	v4 =	vld [tilespmem:s22+$0x0];
	_ =	sdelay $0x2  }
0x6b: {  	v5 =	vld [tilespmem:s22+$0xFFFFFFEF];
	_ =	sdelay $0x1  }
0x6c: {  	v7 =	vld [tilespmem:s22+$0xFFFFFFF0];
	v6 =	vshll.u32 v3, $0xD;
	v8 =	vshll.u32 v4, $0x3  }
0x6d: {  	s23 =	simm.s32 $0x131;
	v3 =	vshll.u32 v3, $0x7;
	v9 =	vand.u32 $0xFFFF0000, v6;
	v8 =	vand.u32 $0xFFFFFC00, v8  }
0x6e: {  	v2 =	vld [tilespmem:s23+$0xFFFFFFFF];
	v3 =	vand.u32 $0x380, v3;
	v8 =	vadd.s32 v9, v8  }
0x6f: {  	v10 =	vshll.u32 v5, $0xD;
	v4 =	vand.u32 $0x7F, v4;
	v6 =	vld [tilespmem:s23+$0x0];
	v3 =	vor.u32 v3, v8  }
0x70: {  	v8 =	vand.u32 $0xFFFF0000, v10;
	v10 =	vor.u32 v4, v3;
	v4 =	vld [tilespmem:s23+$0xFFFFFFF0]  }
0x71: {  	v9 =	vshll.u32 v7, $0x3;
	v3 =	vand.u32 $0x7F, v7;
	v7 =	vld [tilespmem:s23+$0xFFFFFFEF]  }
0x72: {  	v5 =	vshll.u32 v5, $0x7;
	v9 =	vand.u32 $0xFFFFFC00, v9  }
0x73: {  	s19 =	simm.s32 $0x590;
	v5 =	vand.u32 $0x380, v5;
	v11 =	vadd.s32 v8, v9  }
0x74: {  	s21 =	simm.s32 $0x2;
	s20 =	simm.s32 $0x590;
	s22 =	simm.s32 $0x151;
	v8 =	vshll.u32 v2, $0xD;
	[tilespmem:s19+$0x0] =	vst v10;
	v5 =	vor.u32 v5, v11;
	v9 =	vshll.u32 v6, $0x3  }
.LBB2_6:
0x75: {  	v8 =	vand.u32 $0xFFFF0000, v8;
	v9 =	vand.u32 $0xFFFFFC00, v9;
	v14 =	vshll.u32 v2, $0x7;
	v2 =	vld [tilespmem:s22+$0xFFFFFFFF];
	v11 =	vmovc v4;
	s21 =	sadd.s32 $0x2, s21  }
0x76: {  	v12 =	vld [tilespmem:s22+$0x0];
	v13 =	vshll.u32 v7, $0xD;
	v8 =	vadd.s32 v8, v9;
	v9 =	vand.u32 $0x380, v14;
	v10 =	vmovc v7;
	p4 =	slt.u32 s21, $0x6  }
.Ltmp4:
0x77: {  	v6 =	vand.u32 $0x7F, v6;
	v14 =	vshll.u32 v11, $0x3;
	v4 =	vld [tilespmem:s22+$0xFFFFFFF0];
	v8 =	vor.u32 v9, v8;
	(pc) =	sbr.rel @p4 .LBB2_6-.Ltmp4, $4  }
0x78: {  	s19 =	sadd.s32 $0x20, s19;
	v9 =	vand.u32 $0xFFFF0000, v13;
	v13 =	vand.u32 $0xFFFFFC00, v14;
	v7 =	vld [tilespmem:s22+$0xFFFFFFEF];
	v6 =	vor.u32 v6, v8  }
0x79: {  	v13 =	vadd.s32 v9, v13;
	v8 =	vshll.u32 v10, $0x7;
	v9 =	vand.u32 $0x7F, v11;
	[tilespmem:s19+$0x0] =	vst v6  }
0x7a: {  	v10 =	vor.u32 v3, v5;
	v11 =	vand.u32 $0x380, v8;
	v3 =	vmov v9  }
0x7b: {  	s22 =	sadd.s32 $0x20, s22;
	v8 =	vshll.u32 v2, $0xD;
	v5 =	vor.u32 v11, v13;
	v9 =	vshll.u32 v12, $0x3;
	[tilespmem:s20+$0xFFFFFFF0] =	vst v10;
	v6 =	vmovc v12;
	s20 =	smov.u32 s19  }
0x7c: {  	v8 =	vand.u32 $0xFFFF0000, v8;
	v9 =	vand.u32 $0xFFFFFC00, v9;
	v2 =	vshll.u32 v2, $0x7  }
0x7d: {  	v6 =	vand.u32 $0x7F, v6;
	v10 =	vshll.u32 v7, $0xD;
	v8 =	vadd.s32 v8, v9  }
0x7e: {  	v2 =	vand.u32 $0x380, v2;
	v9 =	vshll.u32 v4, $0x3;
	v7 =	vshll.u32 v7, $0x7  }
0x7f: {  	v2 =	vor.u32 v2, v8;
	v8 =	vand.u32 $0xFFFF0000, v10;
	v9 =	vand.u32 $0xFFFFFC00, v9  }
0x80: {  	s19 =	sadd.s32 $0x20, s19;
	v7 =	vand.u32 $0x380, v7;
	v2 =	vor.u32 v6, v2;
	v6 =	vadd.s32 v8, v9  }
0x81: {  	v4 =	vand.u32 $0x7F, v4;
	[tilespmem:s19+$0x0] =	vst v2;
	v2 =	vor.u32 v3, v5;
	v3 =	vor.u32 v7, v6  }
0x82: {  	[tilespmem:s20+$0xFFFFFFF0] =	vst v2;
	v2 =	vor.u32 v4, v3  }
0x83: {  	s21 =	simm.s32 $0x980;
	s22 =	simm.s32 $0x191;
	s20 =	simm.s32 $0x580;
	[tilespmem:s19+$0xFFFFFFF0] =	vst v2  }
0x84: {  	[tilespmem:s21], [sflag:$0x2] =	stream.indirect.gather [hbm4b:s2+s13], $0x1, s20, s13, $0xb8;
	[tilespmem:$0x2680] =	vst v63  }
0x85: {  	v3 =	vld [tilespmem:s22+$0xFFFFFFFF]  }
0x86: {  	v4 =	vld [tilespmem:s22+$0x0];
	_ =	sdelay $0x2  }
0x87: {  	v5 =	vld [tilespmem:s22+$0xFFFFFFEF];
	_ =	sdelay $0x1  }
0x88: {  	v7 =	vld [tilespmem:s22+$0xFFFFFFF0];
	v6 =	vshll.u32 v3, $0xD;
	v8 =	vshll.u32 v4, $0x3  }
0x89: {  	s23 =	simm.s32 $0x1B1;
	v3 =	vshll.u32 v3, $0x7;
	v9 =	vand.u32 $0xFFFF0000, v6;
	v8 =	vand.u32 $0xFFFFFC00, v8  }
0x8a: {  	v2 =	vld [tilespmem:s23+$0xFFFFFFFF];
	v3 =	vand.u32 $0x380, v3;
	v8 =	vadd.s32 v9, v8  }
0x8b: {  	v10 =	vshll.u32 v5, $0xD;
	v4 =	vand.u32 $0x7F, v4;
	v6 =	vld [tilespmem:s23+$0x0];
	v3 =	vor.u32 v3, v8  }
0x8c: {  	v8 =	vand.u32 $0xFFFF0000, v10;
	v10 =	vor.u32 v4, v3;
	v4 =	vld [tilespmem:s23+$0xFFFFFFF0]  }
0x8d: {  	v9 =	vshll.u32 v7, $0x3;
	v3 =	vand.u32 $0x7F, v7;
	v7 =	vld [tilespmem:s23+$0xFFFFFFEF]  }
0x8e: {  	v5 =	vshll.u32 v5, $0x7;
	v9 =	vand.u32 $0xFFFFFC00, v9  }
0x8f: {  	s19 =	simm.s32 $0x610;
	v5 =	vand.u32 $0x380, v5;
	v11 =	vadd.s32 v8, v9  }
0x90: {  	s21 =	simm.s32 $0x2;
	s20 =	simm.s32 $0x610;
	s22 =	simm.s32 $0x1D1;
	v8 =	vshll.u32 v2, $0xD;
	[tilespmem:s19+$0x0] =	vst v10;
	v5 =	vor.u32 v5, v11;
	v9 =	vshll.u32 v6, $0x3  }
.LBB2_8:
0x91: {  	v8 =	vand.u32 $0xFFFF0000, v8;
	v9 =	vand.u32 $0xFFFFFC00, v9;
	v14 =	vshll.u32 v2, $0x7;
	v2 =	vld [tilespmem:s22+$0xFFFFFFFF];
	v11 =	vmovc v4;
	s21 =	sadd.s32 $0x2, s21  }
0x92: {  	v12 =	vld [tilespmem:s22+$0x0];
	v13 =	vshll.u32 v7, $0xD;
	v8 =	vadd.s32 v8, v9;
	v9 =	vand.u32 $0x380, v14;
	v10 =	vmovc v7;
	p4 =	slt.u32 s21, $0x6  }
.Ltmp5:
0x93: {  	v6 =	vand.u32 $0x7F, v6;
	v14 =	vshll.u32 v11, $0x3;
	v4 =	vld [tilespmem:s22+$0xFFFFFFF0];
	v8 =	vor.u32 v9, v8;
	(pc) =	sbr.rel @p4 .LBB2_8-.Ltmp5, $4  }
0x94: {  	s19 =	sadd.s32 $0x20, s19;
	v9 =	vand.u32 $0xFFFF0000, v13;
	v13 =	vand.u32 $0xFFFFFC00, v14;
	v7 =	vld [tilespmem:s22+$0xFFFFFFEF];
	v6 =	vor.u32 v6, v8  }
0x95: {  	v13 =	vadd.s32 v9, v13;
	v8 =	vshll.u32 v10, $0x7;
	v9 =	vand.u32 $0x7F, v11;
	[tilespmem:s19+$0x0] =	vst v6  }
0x96: {  	v10 =	vor.u32 v3, v5;
	v11 =	vand.u32 $0x380, v8;
	v3 =	vmov v9  }
0x97: {  	s22 =	sadd.s32 $0x20, s22;
	v8 =	vshll.u32 v2, $0xD;
	v5 =	vor.u32 v11, v13;
	v9 =	vshll.u32 v12, $0x3;
	[tilespmem:s20+$0xFFFFFFF0] =	vst v10;
	v6 =	vmovc v12;
	s20 =	smov.u32 s19  }
0x98: {  	v8 =	vand.u32 $0xFFFF0000, v8;
	v9 =	vand.u32 $0xFFFFFC00, v9;
	v2 =	vshll.u32 v2, $0x7  }
0x99: {  	v6 =	vand.u32 $0x7F, v6;
	v10 =	vshll.u32 v7, $0xD;
	v8 =	vadd.s32 v8, v9  }
0x9a: {  	v2 =	vand.u32 $0x380, v2;
	v9 =	vshll.u32 v4, $0x3;
	v7 =	vshll.u32 v7, $0x7  }
0x9b: {  	v2 =	vor.u32 v2, v8;
	v8 =	vand.u32 $0xFFFF0000, v10;
	v9 =	vand.u32 $0xFFFFFC00, v9  }
0x9c: {  	s19 =	sadd.s32 $0x20, s19;
	v7 =	vand.u32 $0x380, v7;
	v2 =	vor.u32 v6, v2;
	v6 =	vadd.s32 v8, v9  }
0x9d: {  	v4 =	vand.u32 $0x7F, v4;
	[tilespmem:s19+$0x0] =	vst v2;
	v2 =	vor.u32 v3, v5;
	v3 =	vor.u32 v7, v6  }
0x9e: {  	[tilespmem:s20+$0xFFFFFFF0] =	vst v2;
	v2 =	vor.u32 v4, v3  }
0x9f: {  	s22 =	simm.s32 $0x211;
	[tilespmem:s19+$0xFFFFFFF0] =	vst v2  }
0xa0: {  	[tilespmem:s25], [sflag:$0x2] =	stream.indirect.gather [hbm4b:s2+s13], $0x1, s24, s13, $0xb8;
	[tilespmem:$0x2680] =	vst v63  }
0xa1: {  	v3 =	vld [tilespmem:s22+$0xFFFFFFFF]  }
0xa2: {  	v4 =	vld [tilespmem:s22+$0x0];
	_ =	sdelay $0x2  }
0xa3: {  	v5 =	vld [tilespmem:s22+$0xFFFFFFEF];
	_ =	sdelay $0x1  }
0xa4: {  	v7 =	vld [tilespmem:s22+$0xFFFFFFF0];
	v6 =	vshll.u32 v3, $0xD;
	v8 =	vshll.u32 v4, $0x3  }
0xa5: {  	s23 =	simm.s32 $0x231;
	v3 =	vshll.u32 v3, $0x7;
	v9 =	vand.u32 $0xFFFF0000, v6;
	v8 =	vand.u32 $0xFFFFFC00, v8  }
0xa6: {  	v2 =	vld [tilespmem:s23+$0xFFFFFFFF];
	v3 =	vand.u32 $0x380, v3;
	v8 =	vadd.s32 v9, v8  }
0xa7: {  	v10 =	vshll.u32 v5, $0xD;
	v4 =	vand.u32 $0x7F, v4;
	v6 =	vld [tilespmem:s23+$0x0];
	v3 =	vor.u32 v3, v8  }
0xa8: {  	v8 =	vand.u32 $0xFFFF0000, v10;
	v10 =	vor.u32 v4, v3;
	v4 =	vld [tilespmem:s23+$0xFFFFFFF0]  }
0xa9: {  	v9 =	vshll.u32 v7, $0x3;
	v3 =	vand.u32 $0x7F, v7;
	v7 =	vld [tilespmem:s23+$0xFFFFFFEF]  }
0xaa: {  	v5 =	vshll.u32 v5, $0x7;
	v9 =	vand.u32 $0xFFFFFC00, v9  }
0xab: {  	s19 =	simm.s32 $0x690;
	v5 =	vand.u32 $0x380, v5;
	v11 =	vadd.s32 v8, v9  }
0xac: {  	s21 =	simm.s32 $0x2;
	s20 =	simm.s32 $0x690;
	s22 =	simm.s32 $0x251;
	v8 =	vshll.u32 v2, $0xD;
	[tilespmem:s19+$0x0] =	vst v10;
	v5 =	vor.u32 v5, v11;
	v9 =	vshll.u32 v6, $0x3  }
.LBB2_10:
0xad: {  	v8 =	vand.u32 $0xFFFF0000, v8;
	v9 =	vand.u32 $0xFFFFFC00, v9;
	v14 =	vshll.u32 v2, $0x7;
	v2 =	vld [tilespmem:s22+$0xFFFFFFFF];
	v11 =	vmovc v4;
	s21 =	sadd.s32 $0x2, s21  }
0xae: {  	v12 =	vld [tilespmem:s22+$0x0];
	v13 =	vshll.u32 v7, $0xD;
	v8 =	vadd.s32 v8, v9;
	v9 =	vand.u32 $0x380, v14;
	v10 =	vmovc v7;
	p4 =	slt.u32 s21, $0x6  }
.Ltmp6:
0xaf: {  	v6 =	vand.u32 $0x7F, v6;
	v14 =	vshll.u32 v11, $0x3;
	v4 =	vld [tilespmem:s22+$0xFFFFFFF0];
	v8 =	vor.u32 v9, v8;
	(pc) =	sbr.rel @p4 .LBB2_10-.Ltmp6, $4  }
0xb0: {  	s19 =	sadd.s32 $0x20, s19;
	v9 =	vand.u32 $0xFFFF0000, v13;
	v13 =	vand.u32 $0xFFFFFC00, v14;
	v7 =	vld [tilespmem:s22+$0xFFFFFFEF];
	v6 =	vor.u32 v6, v8  }
0xb1: {  	v13 =	vadd.s32 v9, v13;
	v8 =	vshll.u32 v10, $0x7;
	v9 =	vand.u32 $0x7F, v11;
	[tilespmem:s19+$0x0] =	vst v6  }
0xb2: {  	v10 =	vor.u32 v3, v5;
	v11 =	vand.u32 $0x380, v8;
	v3 =	vmov v9  }
0xb3: {  	s22 =	sadd.s32 $0x20, s22;
	v8 =	vshll.u32 v2, $0xD;
	v5 =	vor.u32 v11, v13;
	v9 =	vshll.u32 v12, $0x3;
	[tilespmem:s20+$0xFFFFFFF0] =	vst v10;
	v6 =	vmovc v12;
	s20 =	smov.u32 s19  }
0xb4: {  	v8 =	vand.u32 $0xFFFF0000, v8;
	v9 =	vand.u32 $0xFFFFFC00, v9;
	v2 =	vshll.u32 v2, $0x7  }
0xb5: {  	v6 =	vand.u32 $0x7F, v6;
	v10 =	vshll.u32 v7, $0xD;
	v8 =	vadd.s32 v8, v9  }
0xb6: {  	v2 =	vand.u32 $0x380, v2;
	v9 =	vshll.u32 v4, $0x3;
	v7 =	vshll.u32 v7, $0x7  }
0xb7: {  	v2 =	vor.u32 v2, v8;
	v8 =	vand.u32 $0xFFFF0000, v10;
	v9 =	vand.u32 $0xFFFFFC00, v9  }
0xb8: {  	s19 =	sadd.s32 $0x20, s19;
	v7 =	vand.u32 $0x380, v7;
	v2 =	vor.u32 v6, v2;
	v6 =	vadd.s32 v8, v9  }
0xb9: {  	v4 =	vand.u32 $0x7F, v4;
	[tilespmem:s19+$0x0] =	vst v2;
	v2 =	vor.u32 v3, v5;
	v3 =	vor.u32 v7, v6  }
0xba: {  	[tilespmem:s20+$0xFFFFFFF0] =	vst v2;
	v2 =	vor.u32 v4, v3  }
0xbb: {  	s22 =	simm.s32 $0x291;
	[tilespmem:s19+$0xFFFFFFF0] =	vst v2  }
0xbc: {  	[tilespmem:s28], [sflag:$0x2] =	stream.indirect.gather [hbm4b:s2+s13], $0x1, s26, s13, $0xb8;
	[tilespmem:$0x2680] =	vst v63  }
0xbd: {  	v3 =	vld [tilespmem:s22+$0xFFFFFFFF]  }
0xbe: {  	v4 =	vld [tilespmem:s22+$0x0];
	_ =	sdelay $0x2  }
0xbf: {  	v5 =	vld [tilespmem:s22+$0xFFFFFFEF];
	_ =	sdelay $0x1  }
0xc0: {  	v7 =	vld [tilespmem:s22+$0xFFFFFFF0];
	v6 =	vshll.u32 v3, $0xD;
	v8 =	vshll.u32 v4, $0x3  }
0xc1: {  	s23 =	simm.s32 $0x2B1;
	v3 =	vshll.u32 v3, $0x7;
	v9 =	vand.u32 $0xFFFF0000, v6;
	v8 =	vand.u32 $0xFFFFFC00, v8  }
0xc2: {  	v2 =	vld [tilespmem:s23+$0xFFFFFFFF];
	v3 =	vand.u32 $0x380, v3;
	v8 =	vadd.s32 v9, v8  }
0xc3: {  	v10 =	vshll.u32 v5, $0xD;
	v4 =	vand.u32 $0x7F, v4;
	v6 =	vld [tilespmem:s23+$0x0];
	v3 =	vor.u32 v3, v8  }
0xc4: {  	v8 =	vand.u32 $0xFFFF0000, v10;
	v10 =	vor.u32 v4, v3;
	v4 =	vld [tilespmem:s23+$0xFFFFFFF0]  }
0xc5: {  	v9 =	vshll.u32 v7, $0x3;
	v3 =	vand.u32 $0x7F, v7;
	v7 =	vld [tilespmem:s23+$0xFFFFFFEF]  }
0xc6: {  	v5 =	vshll.u32 v5, $0x7;
	v9 =	vand.u32 $0xFFFFFC00, v9  }
0xc7: {  	s19 =	simm.s32 $0x710;
	v5 =	vand.u32 $0x380, v5;
	v11 =	vadd.s32 v8, v9  }
0xc8: {  	s21 =	simm.s32 $0x2;
	s20 =	simm.s32 $0x710;
	s22 =	simm.s32 $0x2D1;
	v8 =	vshll.u32 v2, $0xD;
	[tilespmem:s19+$0x0] =	vst v10;
	v5 =	vor.u32 v5, v11;
	v9 =	vshll.u32 v6, $0x3  }
.LBB2_12:
0xc9: {  	v8 =	vand.u32 $0xFFFF0000, v8;
	v9 =	vand.u32 $0xFFFFFC00, v9;
	v14 =	vshll.u32 v2, $0x7;
	v2 =	vld [tilespmem:s22+$0xFFFFFFFF];
	v11 =	vmovc v4;
	s21 =	sadd.s32 $0x2, s21  }
0xca: {  	v12 =	vld [tilespmem:s22+$0x0];
	v13 =	vshll.u32 v7, $0xD;
	v8 =	vadd.s32 v8, v9;
	v9 =	vand.u32 $0x380, v14;
	v10 =	vmovc v7;
	p4 =	slt.u32 s21, $0x6  }
.Ltmp7:
0xcb: {  	v6 =	vand.u32 $0x7F, v6;
	v14 =	vshll.u32 v11, $0x3;
	v4 =	vld [tilespmem:s22+$0xFFFFFFF0];
	v8 =	vor.u32 v9, v8;
	(pc) =	sbr.rel @p4 .LBB2_12-.Ltmp7, $4  }
0xcc: {  	s19 =	sadd.s32 $0x20, s19;
	v9 =	vand.u32 $0xFFFF0000, v13;
	v13 =	vand.u32 $0xFFFFFC00, v14;
	v7 =	vld [tilespmem:s22+$0xFFFFFFEF];
	v6 =	vor.u32 v6, v8  }
0xcd: {  	v13 =	vadd.s32 v9, v13;
	v8 =	vshll.u32 v10, $0x7;
	v9 =	vand.u32 $0x7F, v11;
	[tilespmem:s19+$0x0] =	vst v6  }
0xce: {  	v10 =	vor.u32 v3, v5;
	v11 =	vand.u32 $0x380, v8;
	v3 =	vmov v9  }
0xcf: {  	s22 =	sadd.s32 $0x20, s22;
	v8 =	vshll.u32 v2, $0xD;
	v5 =	vor.u32 v11, v13;
	v9 =	vshll.u32 v12, $0x3;
	[tilespmem:s20+$0xFFFFFFF0] =	vst v10;
	v6 =	vmovc v12;
	s20 =	smov.u32 s19  }
0xd0: {  	v8 =	vand.u32 $0xFFFF0000, v8;
	v9 =	vand.u32 $0xFFFFFC00, v9;
	v2 =	vshll.u32 v2, $0x7  }
0xd1: {  	v6 =	vand.u32 $0x7F, v6;
	v10 =	vshll.u32 v7, $0xD;
	v8 =	vadd.s32 v8, v9  }
0xd2: {  	v2 =	vand.u32 $0x380, v2;
	v9 =	vshll.u32 v4, $0x3;
	v7 =	vshll.u32 v7, $0x7  }
0xd3: {  	v2 =	vor.u32 v2, v8;
	v8 =	vand.u32 $0xFFFF0000, v10;
	v9 =	vand.u32 $0xFFFFFC00, v9  }
0xd4: {  	s19 =	sadd.s32 $0x20, s19;
	v7 =	vand.u32 $0x380, v7;
	v2 =	vor.u32 v6, v2;
	v6 =	vadd.s32 v8, v9  }
0xd5: {  	v4 =	vand.u32 $0x7F, v4;
	[tilespmem:s19+$0x0] =	vst v2;
	v2 =	vor.u32 v3, v5;
	v3 =	vor.u32 v7, v6  }
0xd6: {  	[tilespmem:s20+$0xFFFFFFF0] =	vst v2;
	v2 =	vor.u32 v4, v3  }
0xd7: {  	s22 =	simm.s32 $0x311;
	[tilespmem:s19+$0xFFFFFFF0] =	vst v2  }
0xd8: {  	[tilespmem:s30], [sflag:$0x2] =	stream.indirect.gather [hbm4b:s2+s13], $0x1, s29, s13, $0xb8;
	[tilespmem:$0x2680] =	vst v63  }
0xd9: {  	v3 =	vld [tilespmem:s22+$0xFFFFFFFF]  }
0xda: {  	v4 =	vld [tilespmem:s22+$0x0];
	_ =	sdelay $0x2  }
0xdb: {  	v5 =	vld [tilespmem:s22+$0xFFFFFFEF];
	_ =	sdelay $0x1  }
0xdc: {  	v7 =	vld [tilespmem:s22+$0xFFFFFFF0];
	v6 =	vshll.u32 v3, $0xD;
	v8 =	vshll.u32 v4, $0x3  }
0xdd: {  	s23 =	simm.s32 $0x331;
	v3 =	vshll.u32 v3, $0x7;
	v9 =	vand.u32 $0xFFFF0000, v6;
	v8 =	vand.u32 $0xFFFFFC00, v8  }
0xde: {  	v2 =	vld [tilespmem:s23+$0xFFFFFFFF];
	v3 =	vand.u32 $0x380, v3;
	v8 =	vadd.s32 v9, v8  }
0xdf: {  	v10 =	vshll.u32 v5, $0xD;
	v4 =	vand.u32 $0x7F, v4;
	v6 =	vld [tilespmem:s23+$0x0];
	v3 =	vor.u32 v3, v8  }
0xe0: {  	v8 =	vand.u32 $0xFFFF0000, v10;
	v10 =	vor.u32 v4, v3;
	v4 =	vld [tilespmem:s23+$0xFFFFFFF0]  }
0xe1: {  	v9 =	vshll.u32 v7, $0x3;
	v3 =	vand.u32 $0x7F, v7;
	v7 =	vld [tilespmem:s23+$0xFFFFFFEF]  }
0xe2: {  	v5 =	vshll.u32 v5, $0x7;
	v9 =	vand.u32 $0xFFFFFC00, v9  }
0xe3: {  	s19 =	simm.s32 $0x790;
	v5 =	vand.u32 $0x380, v5;
	v11 =	vadd.s32 v8, v9  }
0xe4: {  	s21 =	simm.s32 $0x2;
	s20 =	simm.s32 $0x790;
	s22 =	simm.s32 $0x351;
	v8 =	vshll.u32 v2, $0xD;
	[tilespmem:s19+$0x0] =	vst v10;
	v5 =	vor.u32 v5, v11;
	v9 =	vshll.u32 v6, $0x3  }
.LBB2_14:
0xe5: {  	v8 =	vand.u32 $0xFFFF0000, v8;
	v9 =	vand.u32 $0xFFFFFC00, v9;
	v14 =	vshll.u32 v2, $0x7;
	v2 =	vld [tilespmem:s22+$0xFFFFFFFF];
	v11 =	vmovc v4;
	s21 =	sadd.s32 $0x2, s21  }
0xe6: {  	v12 =	vld [tilespmem:s22+$0x0];
	v13 =	vshll.u32 v7, $0xD;
	v8 =	vadd.s32 v8, v9;
	v9 =	vand.u32 $0x380, v14;
	v10 =	vmovc v7;
	p4 =	slt.u32 s21, $0x6  }
.Ltmp8:
0xe7: {  	v6 =	vand.u32 $0x7F, v6;
	v14 =	vshll.u32 v11, $0x3;
	v4 =	vld [tilespmem:s22+$0xFFFFFFF0];
	v8 =	vor.u32 v9, v8;
	(pc) =	sbr.rel @p4 .LBB2_14-.Ltmp8, $4  }
0xe8: {  	s19 =	sadd.s32 $0x20, s19;
	v9 =	vand.u32 $0xFFFF0000, v13;
	v13 =	vand.u32 $0xFFFFFC00, v14;
	v7 =	vld [tilespmem:s22+$0xFFFFFFEF];
	v6 =	vor.u32 v6, v8  }
0xe9: {  	v13 =	vadd.s32 v9, v13;
	v8 =	vshll.u32 v10, $0x7;
	v9 =	vand.u32 $0x7F, v11;
	[tilespmem:s19+$0x0] =	vst v6  }
0xea: {  	v10 =	vor.u32 v3, v5;
	v11 =	vand.u32 $0x380, v8;
	v3 =	vmov v9  }
0xeb: {  	s22 =	sadd.s32 $0x20, s22;
	v8 =	vshll.u32 v2, $0xD;
	v5 =	vor.u32 v11, v13;
	v9 =	vshll.u32 v12, $0x3;
	[tilespmem:s20+$0xFFFFFFF0] =	vst v10;
	v6 =	vmovc v12;
	s20 =	smov.u32 s19  }
0xec: {  	v8 =	vand.u32 $0xFFFF0000, v8;
	v9 =	vand.u32 $0xFFFFFC00, v9;
	v2 =	vshll.u32 v2, $0x7  }
0xed: {  	v6 =	vand.u32 $0x7F, v6;
	v10 =	vshll.u32 v7, $0xD;
	v8 =	vadd.s32 v8, v9  }
0xee: {  	v2 =	vand.u32 $0x380, v2;
	v9 =	vshll.u32 v4, $0x3;
	v7 =	vshll.u32 v7, $0x7  }
0xef: {  	v2 =	vor.u32 v2, v8;
	v8 =	vand.u32 $0xFFFF0000, v10;
	v9 =	vand.u32 $0xFFFFFC00, v9  }
0xf0: {  	s19 =	sadd.s32 $0x20, s19;
	v7 =	vand.u32 $0x380, v7;
	v2 =	vor.u32 v6, v2;
	v6 =	vadd.s32 v8, v9  }
0xf1: {  	v4 =	vand.u32 $0x7F, v4;
	[tilespmem:s19+$0x0] =	vst v2;
	v2 =	vor.u32 v3, v5;
	v3 =	vor.u32 v7, v6  }
0xf2: {  	[tilespmem:s20+$0xFFFFFFF0] =	vst v2;
	v2 =	vor.u32 v4, v3  }
0xf3: {  	[tilespmem:s19+$0xFFFFFFF0] =	vst v2  }
0xf4: {  	[tilespmem:s0], [sflag:$0x2] =	stream.indirect.gather [hbm4b:s2+s13], $0x1, s31, s13, $0xb8;
	[tilespmem:$0x2680] =	vst v63  }
0xf5: {  	_ =	swait.ge [sflag:s5], $0x10  }
0xf6: {  	[sflag:s5] =	ssyncset.done $0x0  }
0xf7: {  	s19 =	simm.s32 @!p3 $0x1;
	[sflag:s5] =	ssyncadd.s32 $0xFFFFFFF0  }
0xf8: {  	_ =	swait.ge @!p3 [sflag:s19], $0x10  }
0xf9: {  	[sflag:s19] =	ssyncset.done @!p3 $0x0  }
0xfa: {  	s22 =	simm.s32 $0x391;
	[sflag:s19] =	ssyncadd.s32 @!p3 $0xFFFFFFF0  }
0xfb: {  	v3 =	vld [tilespmem:s22+$0xFFFFFFFF]  }
0xfc: {  	v4 =	vld [tilespmem:s22+$0x0];
	_ =	sdelay $0x2  }
0xfd: {  	v5 =	vld [tilespmem:s22+$0xFFFFFFEF];
	_ =	sdelay $0x1  }
0xfe: {  	v7 =	vld [tilespmem:s22+$0xFFFFFFF0];
	v6 =	vshll.u32 v3, $0xD;
	v8 =	vshll.u32 v4, $0x3  }
0xff: {  	s23 =	simm.s32 $0x3B1;
	v3 =	vshll.u32 v3, $0x7;
	v9 =	vand.u32 $0xFFFF0000, v6;
	v8 =	vand.u32 $0xFFFFFC00, v8  }
0x100: {  	v2 =	vld [tilespmem:s23+$0xFFFFFFFF];
	v3 =	vand.u32 $0x380, v3;
	v8 =	vadd.s32 v9, v8  }
0x101: {  	v10 =	vshll.u32 v5, $0xD;
	v4 =	vand.u32 $0x7F, v4;
	v6 =	vld [tilespmem:s23+$0x0];
	v3 =	vor.u32 v3, v8  }
0x102: {  	v8 =	vand.u32 $0xFFFF0000, v10;
	v10 =	vor.u32 v4, v3;
	v4 =	vld [tilespmem:s23+$0xFFFFFFF0]  }
0x103: {  	v9 =	vshll.u32 v7, $0x3;
	v3 =	vand.u32 $0x7F, v7;
	v7 =	vld [tilespmem:s23+$0xFFFFFFEF]  }
0x104: {  	v5 =	vshll.u32 v5, $0x7;
	v9 =	vand.u32 $0xFFFFFC00, v9  }
0x105: {  	s19 =	simm.s32 $0x810;
	v5 =	vand.u32 $0x380, v5;
	v11 =	vadd.s32 v8, v9  }
0x106: {  	s21 =	simm.s32 $0x2;
	s20 =	simm.s32 $0x810;
	s22 =	simm.s32 $0x3D1;
	v8 =	vshll.u32 v2, $0xD;
	[tilespmem:s19+$0x0] =	vst v10;
	v5 =	vor.u32 v5, v11;
	v9 =	vshll.u32 v6, $0x3  }
.LBB2_16:
0x107: {  	v8 =	vand.u32 $0xFFFF0000, v8;
	v9 =	vand.u32 $0xFFFFFC00, v9;
	v14 =	vshll.u32 v2, $0x7;
	v2 =	vld [tilespmem:s22+$0xFFFFFFFF];
	v11 =	vmovc v4;
	s21 =	sadd.s32 $0x2, s21  }
0x108: {  	v12 =	vld [tilespmem:s22+$0x0];
	v13 =	vshll.u32 v7, $0xD;
	v8 =	vadd.s32 v8, v9;
	v9 =	vand.u32 $0x380, v14;
	v10 =	vmovc v7;
	p4 =	slt.u32 s21, $0x6  }
.Ltmp9:
0x109: {  	v6 =	vand.u32 $0x7F, v6;
	v14 =	vshll.u32 v11, $0x3;
	v4 =	vld [tilespmem:s22+$0xFFFFFFF0];
	v8 =	vor.u32 v9, v8;
	(pc) =	sbr.rel @p4 .LBB2_16-.Ltmp9, $4  }
0x10a: {  	s19 =	sadd.s32 $0x20, s19;
	v9 =	vand.u32 $0xFFFF0000, v13;
	v13 =	vand.u32 $0xFFFFFC00, v14;
	v7 =	vld [tilespmem:s22+$0xFFFFFFEF];
	v6 =	vor.u32 v6, v8  }
0x10b: {  	v13 =	vadd.s32 v9, v13;
	v8 =	vshll.u32 v10, $0x7;
	v9 =	vand.u32 $0x7F, v11;
	[tilespmem:s19+$0x0] =	vst v6  }
0x10c: {  	v10 =	vor.u32 v3, v5;
	v11 =	vand.u32 $0x380, v8;
	v3 =	vmov v9  }
0x10d: {  	s22 =	sadd.s32 $0x20, s22;
	v8 =	vshll.u32 v2, $0xD;
	v5 =	vor.u32 v11, v13;
	v9 =	vshll.u32 v12, $0x3;
	[tilespmem:s20+$0xFFFFFFF0] =	vst v10;
	v6 =	vmovc v12;
	s20 =	smov.u32 s19  }
0x10e: {  	v8 =	vand.u32 $0xFFFF0000, v8;
	v9 =	vand.u32 $0xFFFFFC00, v9;
	v2 =	vshll.u32 v2, $0x7  }
0x10f: {  	v6 =	vand.u32 $0x7F, v6;
	v10 =	vshll.u32 v7, $0xD;
	v8 =	vadd.s32 v8, v9  }
0x110: {  	v2 =	vand.u32 $0x380, v2;
	v9 =	vshll.u32 v4, $0x3;
	v7 =	vshll.u32 v7, $0x7  }
0x111: {  	v2 =	vor.u32 v2, v8;
	v8 =	vand.u32 $0xFFFF0000, v10;
	v9 =	vand.u32 $0xFFFFFC00, v9  }
0x112: {  	s19 =	sadd.s32 $0x20, s19;
	v7 =	vand.u32 $0x380, v7;
	v2 =	vor.u32 v6, v2;
	v6 =	vadd.s32 v8, v9  }
0x113: {  	v4 =	vand.u32 $0x7F, v4;
	[tilespmem:s19+$0x0] =	vst v2;
	v2 =	vor.u32 v3, v5;
	v3 =	vor.u32 v7, v6  }
0x114: {  	[tilespmem:s20+$0xFFFFFFF0] =	vst v2;
	v2 =	vor.u32 v4, v3  }
0x115: {  	[tilespmem:s19+$0xFFFFFFF0] =	vst v2  }
0x116: {  	[tilespmem:s1], [sflag:$0x2] =	stream.indirect.gather [hbm4b:s2+s13], $0x1, s3, s13, $0xb8;
	[tilespmem:$0x2680] =	vst v63  }
0x117: {  	v4 =	vld [tilespmem:$0xC80];
	_ =	swait.ge [sflag:s14], $0x80  }
0x118: {  	[sflag:s14] =	ssyncset.done $0x0  }
0x119: {  	[sflag:s14] =	ssyncadd.s32 $0xFFFFFF80  }
0x11a: {  	_ =	swait.ge [sflag:s14], $0x80  }
0x11b: {  	[sflag:s14] =	ssyncset.done $0x0  }
0x11c: {  	[sflag:s14] =	ssyncadd.s32 $0xFFFFFF80  }
0x11d: {  	_ =	swait.ge [sflag:s14], $0x80  }
0x11e: {  	[sflag:s14] =	ssyncset.done $0x0  }
0x11f: {  	[sflag:s14] =	ssyncadd.s32 $0xFFFFFF80  }
0x120: {  	_ =	swait.ge [sflag:s14], $0x80  }
0x121: {  	[sflag:s14] =	ssyncset.done $0x0  }
0x122: {  	[sflag:s14] =	ssyncadd.s32 $0xFFFFFF80  }
0x123: {  	_ =	swait.ge [sflag:s14], $0x80  }
0x124: {  	[sflag:s14] =	ssyncset.done $0x0  }
0x125: {  	[sflag:s14] =	ssyncadd.s32 $0xFFFFFF80  }
0x126: {  	_ =	swait.ge [sflag:s14], $0x80  }
0x127: {  	[sflag:s14] =	ssyncset.done $0x0  }
0x128: {  	[sflag:s14] =	ssyncadd.s32 $0xFFFFFF80  }
0x129: {  	_ =	swait.ge [sflag:s14], $0x80  }
0x12a: {  	v2 =	vand.u32 $0x7FFFFF, v4;
	[sflag:s14] =	ssyncset.done $0x0  }
0x12b: {  	v2 =	vor.u32 $0x3F800000, v2;
	[sflag:s14] =	ssyncadd.s32 $0xFFFFFF80  }
0x12c: {  	v5 =	vadd.f32 $-1.000000000e+00, v2;
	_ =	swait.ge [sflag:s14], $0x80  }
0x12d: {  	[sflag:s14] =	ssyncset.done $0x0  }
0x12e: {  	v2 =	vmul.f32 $-6.151544860e-03, v5;
	[sflag:s14] =	ssyncadd.s32 $0xFFFFFF80  }
0x12f: {  	v3 =	vld @!p0 [tilespmem:$0xC70]  }
0x130: {  	v2 =	vadd.f32 $3.485012800e-02, v2;
	_ =	sdelay $0x1  }
0x131: {  	s22 =	simm.s32 $0x0;
	v6 =	vlaneseq.u32 @!p0;
	v2 =	vmul.f32 v2, v5  }
0x132: {  	s23 =	sand.u32 $0xE00, s22;
	vm3 =	veq.s32 @!p0 v6, $0xF  }
0x133: {  	s20 =	sshrl.u32 s23, $0x2;
	s19 =	sand.u32 $0x60, s22;
	v2 =	vadd.f32 $-9.325294200e-02, v2;
	v3 =	vsel @!p0 vm3, $0x3F800000, v3  }
0x134: {  	s19 =	sor.u32 s19, s20;
	[tilespmem:$0xC70] =	vst @!p0 v3  }
0x135: {  	v2 =	vmul.f32 v2, v5;
	v9 =	vld [tilespmem:s19+$0x880];
	_ =	sdelay $0x1  }
0x136: {  	v2 =	vadd.f32 $1.658237580e-01, v2;
	v10 =	vld [tilespmem:s19+$0x890];
	_ =	sdelay $0x1  }
0x137: {  	v2 =	vmul.f32 v2, v5  }
0x138: {  	v3 =	vand.u32 $0x7FFFFF, v9  }
0x139: {  	v2 =	vadd.f32 $-2.398267840e-01, v2;
	v3 =	vor.u32 $0x3F800000, v3  }
0x13a: {  	v6 =	vand.u32 $0x7FFFFF, v10;
	v12 =	vadd.f32 $-1.000000000e+00, v3  }
0x13b: {  	v2 =	vmul.f32 v2, v5;
	v3 =	vor.u32 $0x3F800000, v6  }
0x13c: {  	v13 =	vadd.f32 $-1.000000000e+00, v3;
	v3 =	vmul.f32 $6.151544860e-03, v12  }
0x13d: {  	v2 =	vadd.f32 $3.315488400e-01, v2  }
0x13e: {  	v6 =	vmul.f32 $6.151544860e-03, v13;
	v3 =	vsub.f32 $3.485012800e-02, v3  }
0x13f: {  	v2 =	vmul.f32 v2, v5  }
0x140: {  	s20 =	simm.s32 $0x80;
	v6 =	vsub.f32 $3.485012800e-02, v6;
	v3 =	vmul.f32 v3, v12  }
0x141: {  	s21 =	simm.s32 $0x20;
	v2 =	vadd.f32 $-4.998385910e-01, v2;
	s19 =	sand.u32 $0xE00, s20  }
0x142: {  	s20 =	sand.u32 $0x60, s21;
	s19 =	sshrl.u32 s19, $0x2;
	v6 =	vmul.f32 v6, v13;
	v3 =	vadd.f32 $-9.325294200e-02, v3  }
0x143: {  	v7 =	vmul.f32 v2, v5;
	s19 =	sor.u32 s20, s19  }
0x144: {  	v2 =	vld [tilespmem:s19+$0x880];
	v6 =	vadd.f32 $-9.325294200e-02, v6;
	v8 =	vmul.f32 v3, v12  }
0x145: {  	v7 =	vadd.f32 $9.999942770e-01, v7  }
0x146: {  	v3 =	vld [tilespmem:s19+$0x890];
	v6 =	vmul.f32 v6, v13;
	v8 =	vadd.f32 $1.658237580e-01, v8  }
0x147: {  	v4 =	vshra.s32 v4, $0x17;
	v5 =	vmul.f32 v7, v5  }
0x148: {  	v4 =	vadd.s32 $0xFFFFFF81, v4;
	v6 =	vadd.f32 $1.658237580e-01, v6;
	v7 =	vmul.f32 v8, v12  }
0x149: {  	v4 =	vcvt.s32.f32 v4;
	v8 =	vadd.f32 $3.380092290e-08, v5;
	v5 =	vand.u32 $0x7FFFFF, v2  }
0x14a: {  	v5 =	vor.u32 $0x3F800000, v5;
	v6 =	vmul.f32 v6, v13;
	v7 =	vadd.f32 $-2.398267840e-01, v7  }
0x14b: {  	s22 =	simm.s32 $0x100;
	v4 =	vmul.f32 $6.931471820e-01, v4;
	v11 =	vand.u32 $0x7FFFFF, v3;
	v5 =	vadd.f32 $-1.000000000e+00, v5  }
0x14c: {  	s23 =	sand.u32 $0xE00, s22;
	s19 =	simm.s32 $0x40;
	v11 =	vor.u32 $0x3F800000, v11;
	v15 =	vadd.f32 $-2.398267840e-01, v6;
	v14 =	vmul.f32 v7, v12  }
0x14d: {  	s20 =	sshrl.u32 s23, $0x2;
	s21 =	sand.u32 $0x60, s19;
	v8 =	vadd.f32 v8, v4;
	v4 =	vadd.f32 $-1.000000000e+00, v11;
	v11 =	vmul.f32 $6.151544860e-03, v5  }
0x14e: {  	s20 =	sor.u32 s21, s20;
	v15 =	vmul.f32 v15, v13;
	v14 =	vadd.f32 $3.315488400e-01, v14  }
0x14f: {  	v10 =	vshra.s32 v10, $0x17;
	v6 =	vld [tilespmem:s20+$0x890];
	v16 =	vmul.f32 $6.151544860e-03, v4;
	v11 =	vsub.f32 $3.485012800e-02, v11  }
0x150: {  	v9 =	vshra.s32 v9, $0x17;
	v7 =	vld [tilespmem:s20+$0x880];
	v15 =	vadd.f32 $3.315488400e-01, v15;
	v14 =	vmul.f32 v14, v12  }
0x151: {  	v10 =	vadd.s32 $0xFFFFFF81, v10;
	v16 =	vsub.f32 $3.485012800e-02, v16;
	v11 =	vmul.f32 v11, v5  }
0x152: {  	v20 =	vadd.s32 $0xFFFFFF81, v9;
	v15 =	vmul.f32 v15, v13;
	v14 =	vadd.f32 $-4.998385910e-01, v14  }
0x153: {  	v10 =	vcvt.s32.f32 v10;
	v16 =	vmul.f32 v16, v4;
	v11 =	vadd.f32 $-9.325294200e-02, v11  }
0x154: {  	v17 =	vand.u32 $0x7FFFFF, v6;
	v15 =	vadd.f32 $-4.998385910e-01, v15;
	v14 =	vmul.f32 v14, v12  }
0x155: {  	v18 =	vand.u32 $0x7FFFFF, v7;
	v16 =	vadd.f32 $-9.325294200e-02, v16;
	v19 =	vmul.f32 v11, v5  }
0x156: {  	v9 =	vor.u32 $0x3F800000, v17;
	v15 =	vmul.f32 v15, v13;
	v14 =	vadd.f32 $9.999942770e-01, v14  }
0x157: {  	v11 =	vor.u32 $0x3F800000, v18;
	v16 =	vmul.f32 v16, v4;
	v17 =	vadd.f32 $1.658237580e-01, v19  }
0x158: {  	v18 =	vcvt.s32.f32 v20;
	v19 =	vadd.f32 $9.999942770e-01, v15;
	v12 =	vmul.f32 v14, v12  }
0x159: {  	v8 =	vnsel vm1, $0x0, v8;
	v16 =	vadd.f32 $1.658237580e-01, v16;
	v15 =	vmul.f32 v17, v5  }
0x15a: {  	s21 =	simm.s32 $0x180;
	s20 =	simm.s32 $0x4;
	v14 =	vmul.f32 $6.931471820e-01, v18;
	v13 =	vmul.f32 v19, v13;
	v12 =	vadd.f32 $3.380092290e-08, v12  }
.LBB2_18:
0x15b: {  	s22 =	sand.u32 $0xE00, s21;
	v17 =	vadd.f32 $-1.000000000e+00, v11;
	s19 =	sadd.s32 $0x20, s19;
	v11 =	vadd.f32 $-2.398267840e-01, v15;
	v15 =	vmul.f32 v16, v4  }
0x15c: {  	v10 =	vmul.f32 $6.931471820e-01, v10;
	s23 =	sand.u32 $0x60, s19;
	s22 =	sshrl.u32 s22, $0x2;
	v12 =	vadd.f32 v12, v14;
	v13 =	vadd.f32 $3.380092290e-08, v13  }
0x15d: {  	v18 =	vadd.f32 $-1.000000000e+00, v9;
	s22 =	sor.u32 s23, s22;
	v9 =	vmul.f32 v11, v5;
	v11 =	vadd.f32 $-2.398267840e-01, v15  }
0x15e: {  	v15 =	vmul.f32 $6.151544860e-03, v17;
	v14 =	vld [tilespmem:s22+$0x890];
	v8 =	vadd.f32 v12, v8;
	v10 =	vadd.f32 v13, v10  }
0x15f: {  	v12 =	vld [tilespmem:s22+$0x880];
	v9 =	vadd.f32 $3.315488400e-01, v9;
	v11 =	vmul.f32 v11, v4  }
0x160: {  	v13 =	vsub.f32 $3.485012800e-02, v15;
	v15 =	vmul.f32 $6.151544860e-03, v18;
	v8 =	vadd.f32 v10, v8  }
0x161: {  	v10 =	vshra.s32 v3, $0x17;
	v3 =	vmovc v6;
	v9 =	vmul.f32 v9, v5;
	v11 =	vadd.f32 $3.315488400e-01, v11  }
0x162: {  	v16 =	vshra.s32 v2, $0x17;
	v2 =	vmovc v7;
	v13 =	vmul.f32 v13, v17;
	v15 =	vsub.f32 $3.485012800e-02, v15  }
0x163: {  	s20 =	sadd.s32 $0x2, s20;
	v19 =	vand.u32 $0x7FFFFF, v14;
	v9 =	vadd.f32 $-4.998385910e-01, v9;
	v11 =	vmul.f32 v11, v4;
	v6 =	vmovc v14  }
0x164: {  	p4 =	slt.u32 s20, $0x3E;
	v13 =	vadd.f32 $-9.325294200e-02, v13;
	v15 =	vmul.f32 v15, v18;
	v14 =	vand.u32 $0x7FFFFF, v12;
	v7 =	vmovc v12  }
0x165: {  	v10 =	vadd.s32 $0xFFFFFF81, v10;
	v12 =	vmul.f32 v9, v5;
	v11 =	vadd.f32 $-4.998385910e-01, v11  }
0x166: {  	v16 =	vadd.s32 $0xFFFFFF81, v16;
	v13 =	vmul.f32 v13, v17;
	v15 =	vadd.f32 $-9.325294200e-02, v15  }
.Ltmp10:
0x167: {  	v9 =	vor.u32 $0x3F800000, v19;
	v12 =	vadd.f32 $9.999942770e-01, v12;
	v19 =	vmul.f32 v11, v4;
	(pc) =	sbr.rel @p4 .LBB2_18-.Ltmp10, $4  }
0x168: {  	v11 =	vor.u32 $0x3F800000, v14;
	v13 =	vadd.f32 $1.658237580e-01, v13;
	v14 =	vmul.f32 v15, v18  }
0x169: {  	v20 =	vcvt.s32.f32 v16;
	v12 =	vmul.f32 v12, v5;
	v19 =	vadd.f32 $9.999942770e-01, v19;
	v5 =	vmovc v17  }
0x16a: {  	v10 =	vcvt.s32.f32 v10;
	v16 =	vadd.f32 $1.658237580e-01, v14;
	v15 =	vmul.f32 v13, v5  }
0x16b: {  	s21 =	sadd.s32 $0x80, s21;
	v14 =	vmul.f32 $6.931471820e-01, v20;
	v12 =	vadd.f32 $3.380092290e-08, v12;
	v13 =	vmul.f32 v19, v4;
	v4 =	vmovc v18  }
0x16c: {  	v11 =	vadd.f32 $-1.000000000e+00, v11;
	_ =	sdelay $0x1  }
0x16d: {  	v9 =	vadd.f32 $-1.000000000e+00, v9;
	v17 =	vmul.f32 $6.151544860e-03, v11;
	_ =	sdelay $0x1  }
0x16e: {  	v18 =	vmul.f32 $6.151544860e-03, v9;
	v17 =	vsub.f32 $3.485012800e-02, v17;
	_ =	sdelay $0x1  }
0x16f: {  	v18 =	vsub.f32 $3.485012800e-02, v18;
	v17 =	vmul.f32 v17, v11;
	_ =	sdelay $0x1  }
0x170: {  	v18 =	vmul.f32 v18, v9;
	v17 =	vadd.f32 $-9.325294200e-02, v17;
	_ =	sdelay $0x1  }
0x171: {  	v18 =	vadd.f32 $-9.325294200e-02, v18;
	v17 =	vmul.f32 v17, v11  }
0x172: {  	v15 =	vadd.f32 $-2.398267840e-01, v15;
	v16 =	vmul.f32 v16, v4  }
0x173: {  	v10 =	vmul.f32 $6.931471820e-01, v10;
	v18 =	vmul.f32 v18, v9;
	v17 =	vadd.f32 $1.658237580e-01, v17  }
0x174: {  	v3 =	vshra.s32 v3, $0x17;
	v15 =	vmul.f32 v15, v5;
	v16 =	vadd.f32 $-2.398267840e-01, v16  }
0x175: {  	v2 =	vshra.s32 v2, $0x17;
	v41 =	vadd.f32 $1.658237580e-01, v18;
	v40 =	vmul.f32 v17, v11  }
0x176: {  	v56 =	vshra.s32 v6, $0x17;
	v38 =	vadd.f32 $3.315488400e-01, v15;
	v39 =	vmul.f32 v16, v4  }
0x177: {  	v12 =	vadd.f32 v12, v14;
	v43 =	vmul.f32 v41, v9;
	v42 =	vadd.f32 $-2.398267840e-01, v40  }
0x178: {  	v57 =	vshra.s32 v7, $0x17;
	v14 =	vmul.f32 v38, v5;
	v15 =	vadd.f32 $3.315488400e-01, v39  }
0x179: {  	v8 =	vadd.f32 v12, v8;
	v46 =	vadd.f32 $-2.398267840e-01, v43;
	v12 =	vmul.f32 v42, v11  }
0x17a: {  	v13 =	vadd.f32 $3.380092290e-08, v13;
	v44 =	vadd.f32 $-4.998385910e-01, v14;
	v45 =	vmul.f32 v15, v4  }
0x17b: {  	v2 =	vadd.s32 $0xFFFFFF81, v2;
	v49 =	vmul.f32 v46, v9;
	v12 =	vadd.f32 $3.315488400e-01, v12  }
0x17c: {  	v10 =	vadd.f32 v13, v10;
	v47 =	vmul.f32 v44, v5;
	v48 =	vadd.f32 $-4.998385910e-01, v45  }
0x17d: {  	v3 =	vadd.s32 $0xFFFFFF81, v3;
	v14 =	vadd.f32 $3.315488400e-01, v49;
	v12 =	vmul.f32 v12, v11  }
0x17e: {  	v8 =	vadd.f32 v10, v8;
	v10 =	vadd.f32 $9.999942770e-01, v47;
	v13 =	vmul.f32 v48, v4  }
0x17f: {  	v6 =	vadd.s32 $0xFFFFFF81, v57;
	v52 =	vmul.f32 v14, v9;
	v12 =	vadd.f32 $-4.998385910e-01, v12  }
0x180: {  	v2 =	vcvt.s32.f32 v2;
	v50 =	vmul.f32 v10, v5;
	v51 =	vadd.f32 $9.999942770e-01, v13  }
0x181: {  	v3 =	vcvt.s32.f32 v3;
	v55 =	vadd.f32 $-4.998385910e-01, v52;
	v54 =	vmul.f32 v12, v11  }
0x182: {  	v2 =	vmul.f32 $6.931471820e-01, v2;
	v5 =	vadd.f32 $3.380092290e-08, v50;
	v53 =	vmul.f32 v51, v4  }
0x183: {  	v6 =	vcvt.s32.f32 v6;
	v59 =	vmul.f32 v55, v9;
	v58 =	vadd.f32 $9.999942770e-01, v54  }
0x184: {  	v3 =	vmul.f32 $6.931471820e-01, v3;
	v2 =	vadd.f32 v5, v2;
	v4 =	vadd.f32 $3.380092290e-08, v53  }
0x185: {  	v6 =	vmul.f32 $6.931471820e-01, v6;
	v10 =	vadd.f32 $9.999942770e-01, v59;
	v7 =	vmul.f32 v58, v11  }
0x186: {  	v5 =	vadd.s32 $0xFFFFFF81, v56;
	v2 =	vadd.f32 v2, v8;
	v3 =	vadd.f32 v4, v3  }
0x187: {  	v60 =	vcvt.s32.f32 v5;
	v62 =	vmul.f32 v10, v9;
	v61 =	vadd.f32 $3.380092290e-08, v7  }
0x188: {  	v2 =	vadd.f32 v3, v2  }
0x189: {  	v4 =	vmul.f32 $6.931471820e-01, v60;
	v63 =	vadd.f32 $3.380092290e-08, v62;
	v3 =	vadd.f32 v61, v6;
	_ =	sdelay $0x1  }
0x18a: {  	v2 =	vadd.f32 v3, v2;
	v3 =	vadd.f32 v63, v4;
	_ =	sdelay $0x1  }
0x18b: {  	v2 =	vadd.f32 v3, v2;
	_ =	sdelay $0x1  }
0x18c: {  	(xrf2) =	vadd.scan.msk.f32 $0xffff, v2;
	_ =	sdelay $0x9  }
0x18d: {  	v2, _, _ =	vpop (xrf2)  }
0x18e: {  	v2 =	vadd.f32 $0.0e+00, v2;
	_ =	sdelay $0x1  }
0x18f: {  	v2 =	vbroadcast v2, $0xF;
	_ =	sdelay $0x1  }
0x190: {  	[tilespmem:$0xC80] =	vst v2  }
0x191: {  	[hbm4b:s10+s4] =	stream.linear.scatter [tilespmem:s17], [sflag:$0x3], $0x80, $0x38;
	[tilespmem:$0x2680] =	vst v63  }
0x192: {  	_ =	swait.ge [sflag:s15], $0x80  }
0x193: {  	[sflag:s15] =	ssyncset.done $0x0  }
0x194: {  	[sflag:s15] =	ssyncadd.s32 $0xFFFFFF80  }
0x195: {  	[bflag:$0x0] =	sbarrier.arrive $0xFFFF  }
0x196: {  	v2 =	vld @p1 [tilespmem:$0x0];
	_ =	sdelay $0x4  }
0x197: {  	v2 =	vxor.u32 @p1 $0x5BD1E995, v2  }
0x198: {  	[tilespmem:$0xE00] =	vst @p1 v2  }
0x199: {  	s19 =	simm.s32 @p1 $0x0;
	s20 =	simm.s32 @p1 $0xC80;
	[tilespmem:$0xC80] =	vst @p1 v2  }
0x19a: {  	[hbm4b:s11+s19] =	stream.linear.scatter @p1 [tilespmem:s20], [sflag:$0x3], $0x80, $0x38;
	[tilespmem:$0x2680] =	vst v63  }
.Ltmp11:
0x19b: {  	_ = 	snop;
	(pc) =	sbr.rel @p2 .LBB2_23-.Ltmp11, $4  }
0x19c: {  	s19 =	simm.s32 @p1 $0x3  }
0x19d: {  	_ =	swait.ge @p1 [sflag:s19], $0x80  }
0x19e: {  	[sflag:s19] =	ssyncset.done @p1 $0x0  }
0x19f: {  	[sflag:s19] =	ssyncadd.s32 @p1 $0xFFFFFF80  }
0x1a0: {  	v2 =	vld [tilespmem:$0xD80]  }
.LBB2_21:
0x1a1: {  	[tilespmem:s16], [sflag:$0x3] =	stream.linear.gather [hbm4b:s6+s4], $0x1800, $0x38;
	[tilespmem:$0x2680] =	vst v63  }
0x1a2: {  	_ =	swait.ge [sflag:s15], $0x1800  }
0x1a3: {  	[sflag:s15] =	ssyncset.done $0x0  }
0x1a4: {  	[sflag:s15] =	ssyncadd.s32 $0xFFFFE800  }
0x1a5: {  	v3 =	vld [tilespmem:$0x2280];
	_ =	sdelay $0x4  }
0x1a6: {  	v3 =	vxor.u32 v2, v3  }
0x1a7: {  	vm3 =	veq.s32 v3, $0x5BD1E995  }
0x1a8: {  	v3 =	vsel vm3, $0x3F800000, v1  }
0x1a9: {  	(xrf0) =	vmin.scan.msk.f32 $0xffff, v3;
	_ =	sdelay $0x5  }
0x1aa: {  	v3, _, _ =	vpop (xrf0)  }
0x1ab: {  	(v2sf) =	vpush v3, $0xF;
	_ =	sdelay $0xe  }
0x1ac: {  	s19 =	spop (v2sf)  }
0x1ad: {  	p4 =	sgt.f32 s19, $0.0e+00  }
.Ltmp12:
0x1ae: {  	_ = 	snop;
	(pc) =	sbr.rel @!p4 .LBB2_21-.Ltmp12, $1  }
0x1af: {  	_ =	sdelay $0x3  }
0x1b0: {  	v2 =	vld [tilespmem:$0xE80]  }
0x1b1: {  	v3 =	vld [tilespmem:$0x1A80]  }
0x1b2: {  	v4 =	vld [tilespmem:$0xF00]  }
0x1b3: {  	v5 =	vld [tilespmem:$0x1B00]  }
0x1b4: {  	v6 =	vld [tilespmem:$0xF80]  }
0x1b5: {  	v7 =	vld [tilespmem:$0x1B80]  }
0x1b6: {  	v8 =	vld [tilespmem:$0x1C00];
	v2 =	vadd.f32 v3, v2  }
0x1b7: {  	v3 =	vld [tilespmem:$0x1000]  }
0x1b8: {  	v40 =	vld [tilespmem:$0x1080];
	v4 =	vadd.f32 v5, v4;
	v2 =	vnsel vm0, $0x0, v2  }
0x1b9: {  	v9 =	vld [tilespmem:$0x1C80];
	vm3 =	vcmask $0x308;
	v2 =	vadd.f32 $0.0e+00, v2  }
0x1ba: {  	v41 =	vld [tilespmem:$0x1100];
	v6 =	vadd.f32 v7, v6;
	v4 =	vsel vm3, $0x0, v4  }
0x1bb: {  	v42 =	vld [tilespmem:$0x1D00];
	vm3 =	vcmask $0x70C;
	v2 =	vadd.f32 v4, v2  }
0x1bc: {  	v43 =	vld [tilespmem:$0x1180];
	v6 =	vsel vm3, $0x0, v6;
	v3 =	vadd.f32 v8, v3  }
0x1bd: {  	v44 =	vld [tilespmem:$0x1D80];
	v2 =	vadd.f32 v6, v2  }
0x1be: {  	v45 =	vld [tilespmem:$0x1200];
	v5 =	vadd.f32 v9, v40;
	v3 =	vsel vm4, $0x0, v3  }
0x1bf: {  	v2 =	vadd.f32 v3, v2;
	v3 =	vld [tilespmem:$0x1E00]  }
0x1c0: {  	v46 =	vld [tilespmem:$0x1280];
	v5 =	vsel vm5, $0x0, v5;
	v4 =	vadd.f32 v42, v41  }
0x1c1: {  	v47 =	vld [tilespmem:$0x1E80];
	v2 =	vadd.f32 v5, v2  }
0x1c2: {  	v48 =	vld [tilespmem:$0x1300];
	v4 =	vsel vm6, $0x0, v4;
	v6 =	vadd.f32 v44, v43  }
0x1c3: {  	v49 =	vld [tilespmem:$0x1F00];
	v2 =	vadd.f32 v4, v2  }
0x1c4: {  	v50 =	vld [tilespmem:$0x1380];
	v6 =	vsel vm7, $0x0, v6;
	v3 =	vadd.f32 v3, v45  }
0x1c5: {  	v51 =	vld [tilespmem:$0x1F80];
	v2 =	vadd.f32 v6, v2  }
0x1c6: {  	v52 =	vld [tilespmem:$0x1400];
	v5 =	vadd.f32 v47, v46;
	v3 =	vsel vm8, $0x0, v3  }
0x1c7: {  	v2 =	vadd.f32 v3, v2;
	v3 =	vld [tilespmem:$0x2000]  }
0x1c8: {  	v53 =	vld [tilespmem:$0x1480];
	v5 =	vsel vm9, $0x0, v5;
	v4 =	vadd.f32 v49, v48  }
0x1c9: {  	v54 =	vld [tilespmem:$0x2080];
	v2 =	vadd.f32 v5, v2  }
0x1ca: {  	v55 =	vld [tilespmem:$0x1500];
	v4 =	vsel vm10, $0x0, v4;
	v6 =	vadd.f32 v51, v50  }
0x1cb: {  	v56 =	vld [tilespmem:$0x2100];
	v2 =	vadd.f32 v4, v2  }
0x1cc: {  	v57 =	vld [tilespmem:$0x1580];
	v6 =	vsel vm11, $0x0, v6;
	v3 =	vadd.f32 v3, v52  }
0x1cd: {  	v58 =	vld [tilespmem:$0x2180];
	v2 =	vadd.f32 v6, v2  }
0x1ce: {  	v59 =	vld [tilespmem:$0x1600];
	v5 =	vadd.f32 v54, v53;
	v3 =	vsel vm12, $0x0, v3  }
0x1cf: {  	v2 =	vadd.f32 v3, v2;
	v3 =	vld [tilespmem:$0x2200]  }
0x1d0: {  	v4 =	vadd.f32 v56, v55;
	v5 =	vsel vm13, $0x0, v5  }
0x1d1: {  	v2 =	vadd.f32 v5, v2  }
0x1d2: {  	v60 =	vadd.f32 v58, v57;
	v4 =	vsel vm14, $0x0, v4  }
0x1d3: {  	v2 =	vadd.f32 v4, v2  }
0x1d4: {  	v61 =	vsel vm15, $0x0, v60;
	v3 =	vadd.f32 v3, v59  }
0x1d5: {  	v2 =	vadd.f32 v61, v2  }
0x1d6: {  	v3 =	vsel vm2, $0x0, v3  }
0x1d7: {  	v2 =	vadd.f32 v3, v2;
	_ =	sdelay $0x1  }
0x1d8: {  	(xrf0) =	vmax.scan.msk.f32 $0xffff, v2;
	_ =	sdelay $0x5  }
0x1d9: {  	v3, _, _ =	vpop (xrf0)  }
0x1da: {  	v3 =	vbroadcast v3, $0xF;
	_ =	sdelay $0x1  }
0x1db: {  	v2 =	vsub.f32 v2, v3;
	_ =	sdelay $0x1  }
0x1dc: {  	v2 =	vmul.f32 $1.442695020e+00, v2;
	_ =	sdelay $0x1  }
0x1dd: {  	(erf) = vpow2.f32 v2;
	_ =	sdelay $0x8  }
0x1de: {  	v2 =	vpop (erf)  }
0x1df: {  	(xrf2) =	vadd.scan.msk.f32 $0xffff, v2;
	_ =	sdelay $0x9  }
0x1e0: {  	v2, _, _ =	vpop (xrf2)  }
0x1e1: {  	v2 =	vbroadcast v2, $0xF;
	_ =	sdelay $0x1  }
0x1e2: {  	v62 =	vand.u32 $0x7FFFFF, v2  }
0x1e3: {  	v4 =	vor.u32 $0x3F800000, v62  }
0x1e4: {  	v4 =	vadd.f32 $-1.000000000e+00, v4;
	_ =	sdelay $0x1  }
0x1e5: {  	v63 =	vmul.f32 $-6.151544860e-03, v4;
	_ =	sdelay $0x1  }
0x1e6: {  	v5 =	vadd.f32 $3.485012800e-02, v63;
	_ =	sdelay $0x1  }
0x1e7: {  	v5 =	vmul.f32 v5, v4;
	_ =	sdelay $0x1  }
0x1e8: {  	v5 =	vadd.f32 $-9.325294200e-02, v5;
	_ =	sdelay $0x1  }
0x1e9: {  	v5 =	vmul.f32 v5, v4;
	_ =	sdelay $0x1  }
0x1ea: {  	v5 =	vadd.f32 $1.658237580e-01, v5;
	_ =	sdelay $0x1  }
0x1eb: {  	v5 =	vmul.f32 v5, v4;
	_ =	sdelay $0x1  }
0x1ec: {  	v5 =	vadd.f32 $-2.398267840e-01, v5;
	_ =	sdelay $0x1  }
0x1ed: {  	v5 =	vmul.f32 v5, v4;
	_ =	sdelay $0x1  }
0x1ee: {  	v5 =	vadd.f32 $3.315488400e-01, v5;
	_ =	sdelay $0x1  }
0x1ef: {  	v5 =	vmul.f32 v5, v4;
	_ =	sdelay $0x1  }
0x1f0: {  	v5 =	vadd.f32 $-4.998385910e-01, v5;
	_ =	sdelay $0x1  }
0x1f1: {  	v5 =	vmul.f32 v5, v4;
	_ =	sdelay $0x1  }
0x1f2: {  	v2 =	vshra.s32 v2, $0x17;
	v5 =	vadd.f32 $9.999942770e-01, v5  }
0x1f3: {  	v2 =	vadd.s32 $0xFFFFFF81, v2  }
0x1f4: {  	v2 =	vcvt.s32.f32 v2;
	v4 =	vmul.f32 v5, v4;
	_ =	sdelay $0x1  }
0x1f5: {  	v2 =	vmul.f32 $6.931471820e-01, v2;
	v4 =	vadd.f32 $3.380092290e-08, v4;
	_ =	sdelay $0x1  }
0x1f6: {  	v2 =	vadd.f32 v4, v2;
	_ =	sdelay $0x1  }
0x1f7: {  	v2 =	vadd.f32 v2, v3;
	_ =	sdelay $0x1  }
0x1f8: {  	v2 =	vsub.f32 $0.0e+00, v2;
	_ =	sdelay $0x1  }
.Ltmp13:
0x1f9: {  	s19 =	rddreg [dreg:$0x3];
	[tilespmem:$0xC80] =	vst v2;
	(pc) =	sbr.rel .LBB2_23-.Ltmp13, $4  }
0x1fa: {  	[hbm4b:s19+s4] =	stream.linear.scatter [tilespmem:s17], [sflag:$0x3], $0x80, $0x38;
	[tilespmem:$0x2680] =	vst v63  }
0x1fb: {  	_ =	swait.ge [sflag:s15], $0x80  }
0x1fc: {  	[sflag:s15] =	ssyncset.done $0x0  }
0x1fd: {  	[sflag:s15] =	ssyncadd.s32 $0xFFFFFF80  }
.LBB2_24:
0x1fe: {  	_ =	sfence.sel $0x180000  }
0x1ff: {  	[bflag:$0x0] =	sbarrier.arrive $0xFFFF  }
0x200: {  	_ =	strace $0x90000047  }
0x201: {  	s0 =	stileid.u32;
	[bflag:$0x2] =	sbarrier.arrive $0xFFFF  }
0x202: {  	p0 =	sne.s32 s0, $0x0;
	s0 =	rddreg [dreg:$0x5]  }
0x203: {  	s0 =	sadd.s32 @!p0 $0x100000, s0  }
0x204: {  	[sflag:s0] =	ssyncadd.tile.s32 @!p0 $0x1;
	_ =	shalt  }
.Lfunc_end2:
_tile_overlayer_lowered:
.L_overlay_start_2:
0x205: {  	(tag) =	ssettag $0x2  }
0x206: {  	s0 =	rddreg [dreg:$0x0];
	s2 =	stileid.u32  }
0x207: {  	s1 =	rddreg [dreg:$0x1];
	p0 =	sne.s32 s2, $0x0  }
0x208: {  	s3 =	rddreg [dreg:$0x2];
	[bflag:$0x3] =	sbarrier.arrive $0xFFFF;
	s2 =	simm.s32 @!p0 $0x1C03  }
0x209: {  	[timem:s3], [sflag:s2] =	dma.local @!p0 [hbm:s0], s1  }
0x20a: {  	s0 =	simm.s32 @!p0 $0x3  }
0x20b: {  	_ =	swait.ge @!p0 [sflag:s0], s1  }
0x20c: {  	s1 =	ssub.s32 @!p0 $0x0, s1;
	[sflag:s0] =	ssyncset.done @!p0 $0x0  }
0x20d: {  	[sflag:s0] =	ssyncadd.s32 @!p0 s1  }
0x20e: {  	[bflag:$0x3] =	sbarrier.arrive $0xFFFF  }
0x20f: {  	_ =	shalt  }

</sc_bundles>
